<compile_context>
chip_gen: v7x
topology: tpu7x:2x2x1
jax: 0.10.2.dev20260603
libtpu: 0.0.44.dev20260713+nightly
codegen_flags: <defaults>
</compile_context>

<pallas_src>
import jax
import jax.numpy as jnp
from jax import lax
from jax.experimental import pallas as pl
from jax.experimental.pallas import tpu as pltpu
from jax.experimental.pallas import tpu_sc as plsc

T = 2048
D = 1024
E = 8
K = 2
A = K * T
B = 512
NPAD = A + E * B
NB = NPAD // B
NEG_INF = -1e30

NUM_TILES = 32
TOK_PER_TILE = T // NUM_TILES
CCH = 32


def _routing_body(x_ref, wg_ref, dest_ref, w1x_ref, w2x_ref, eid_ref):
    logits = jax.lax.dot_general(
        wg_ref[...], x_ref[...], (((1,), (1,)), ((), ())),
        preferred_element_type=jnp.float32)
    sub = jax.lax.broadcasted_iota(jnp.int32, (E, T), 0)
    m1 = jnp.max(logits, axis=0, keepdims=True)
    a1 = jnp.min(jnp.where(logits == m1, sub, E), axis=0, keepdims=True)
    masked = jnp.where(sub == a1, NEG_INF, logits)
    m2 = jnp.max(masked, axis=0, keepdims=True)
    a2 = jnp.min(jnp.where(masked == m2, sub, E), axis=0, keepdims=True)
    w1 = 1.0 / (1.0 + jnp.exp(m2 - m1))
    w2 = 1.0 - w1

    ind = (jnp.where(sub == a1, 1.0, 0.0)
           + jnp.where(sub == a2, 1.0, 0.0))
    r = jax.lax.broadcasted_iota(jnp.int32, (T, T), 0)
    c = jax.lax.broadcasted_iota(jnp.int32, (T, T), 1)
    ut = jnp.where(r < c, 1.0, 0.0)
    rank = jax.lax.dot_general(
        ind, ut, (((1,), (0,)), ((), ())),
        preferred_element_type=jnp.float32)
    counts = jnp.sum(ind, axis=1, keepdims=True).astype(jnp.int32)
    padded = ((counts + (B - 1)) // B) * B
    esub = jax.lax.broadcasted_iota(jnp.int32, (E, E), 0)
    ecol = jax.lax.broadcasted_iota(jnp.int32, (E, E), 1)
    ltri = jnp.where(ecol < esub, 1.0, 0.0)
    pstart = jax.lax.dot_general(
        ltri, padded.astype(jnp.float32), (((1,), (0,)), ((), ())),
        preferred_element_type=jnp.float32)

    slot = rank + pstart
    d1 = jnp.sum(jnp.where(sub == a1, slot, 0.0), axis=0, keepdims=True)
    d2 = jnp.sum(jnp.where(sub == a2, slot, 0.0), axis=0, keepdims=True)
    dest_ref[0:1, :] = d1.astype(jnp.int32)
    dest_ref[1:2, :] = d2.astype(jnp.int32)

    ident = jnp.where(r == c, 1.0, 0.0)
    wrows = jnp.concatenate([w1, w2], axis=0)
    wcol = jax.lax.dot_general(
        ident, wrows, (((1,), (1,)), ((), ())),
        preferred_element_type=jnp.float32)
    w1x_ref[...] = jax.lax.broadcast_in_dim(wcol[:, 0:1], (T, 16), (0, 1))
    w2x_ref[...] = jax.lax.broadcast_in_dim(wcol[:, 1:2], (T, 16), (0, 1))

    bstart = jax.lax.broadcasted_iota(jnp.int32, (E, NB), 1) * B
    ge = jnp.where(bstart >= pstart.astype(jnp.int32), 1, 0)
    eid_ref[...] = jnp.sum(ge, axis=0, keepdims=True) - 1


def _routing(x, Wg):
    return pl.pallas_call(
        _routing_body,
        grid=(1,),
        in_specs=[
            pl.BlockSpec((T, D), lambda i: (0, 0)),
            pl.BlockSpec((E, D), lambda i: (0, 0)),
        ],
        out_specs=[
            pl.BlockSpec((K, T), lambda i: (0, 0)),
            pl.BlockSpec((T, 16), lambda i: (0, 0)),
            pl.BlockSpec((T, 16), lambda i: (0, 0)),
            pl.BlockSpec((1, NB), lambda i: (0, 0)),
        ],
        out_shape=[
            jax.ShapeDtypeStruct((K, T), jnp.int32),
            jax.ShapeDtypeStruct((T, 16), jnp.float32),
            jax.ShapeDtypeStruct((T, 16), jnp.float32),
            jax.ShapeDtypeStruct((1, NB), jnp.int32),
        ],
    )(x, Wg)


def _dispatch_body(x_hbm, dest_hbm, xs_hbm, idx0, idx1, rows, sem0, sem1):
    wid = lax.axis_index("s") * 2 + lax.axis_index("c")
    tb = wid * TOK_PER_TILE
    pltpu.sync_copy(dest_hbm.at[0, pl.ds(tb, TOK_PER_TILE)], idx0)
    pltpu.sync_copy(dest_hbm.at[1, pl.ds(tb, TOK_PER_TILE)], idx1)
    pltpu.sync_copy(x_hbm.at[pl.ds(tb, TOK_PER_TILE)], rows)
    c0 = pltpu.async_copy(rows, xs_hbm.at[idx0], sem0)
    c1 = pltpu.async_copy(rows, xs_hbm.at[idx1], sem1)
    c0.wait()
    c1.wait()


def _dispatch(x, dest):
    f = pl.kernel(
        _dispatch_body,
        out_type=jax.ShapeDtypeStruct((NPAD, D), jnp.float32),
        mesh=plsc.VectorSubcoreMesh(core_axis_name="c", subcore_axis_name="s"),
        compiler_params=pltpu.CompilerParams(needs_layout_passes=False),
        scratch_types=[
            pltpu.VMEM((TOK_PER_TILE,), jnp.int32),
            pltpu.VMEM((TOK_PER_TILE,), jnp.int32),
            pltpu.VMEM((TOK_PER_TILE, D), jnp.float32),
            pltpu.SemaphoreType.DMA,
            pltpu.SemaphoreType.DMA,
        ],
    )
    return f(x, dest)


def _expert_body(eid_ref, xs_ref, we_ref, be_ref, ys_ref):
    y = jax.lax.dot_general(
        xs_ref[...].astype(jnp.bfloat16),
        we_ref[0].astype(jnp.bfloat16),
        (((1,), (1,)), ((), ())),
        preferred_element_type=jnp.float32)
    ys_ref[...] = y + be_ref[0]


def _expert_matmul(eid, xs, We, be):
    grid_spec = pltpu.PrefetchScalarGridSpec(
        num_scalar_prefetch=1,
        grid=(NB,),
        in_specs=[
            pl.BlockSpec((B, D), lambda i, eid: (i, 0)),
            pl.BlockSpec((1, D, D), lambda i, eid: (eid[i], 0, 0)),
            pl.BlockSpec((1, 1, D), lambda i, eid: (eid[i], 0, 0)),
        ],
        out_specs=pl.BlockSpec((B, D), lambda i, eid: (i, 0)),
    )
    return pl.pallas_call(
        _expert_body,
        grid_spec=grid_spec,
        out_shape=jax.ShapeDtypeStruct((NPAD, D), jnp.float32),
    )(eid, xs, We, be.reshape(E, 1, D))


def _combine_body(ys_hbm, dest_hbm, w1x_hbm, w2x_hbm, out_hbm,
                  d0, d1, wv1, wv2, buf0, buf1, sem0, sem1):
    wid = lax.axis_index("s") * 2 + lax.axis_index("c")
    tb = wid * TOK_PER_TILE
    pltpu.sync_copy(dest_hbm.at[0, pl.ds(tb, TOK_PER_TILE)], d0)
    pltpu.sync_copy(dest_hbm.at[1, pl.ds(tb, TOK_PER_TILE)], d1)
    pltpu.sync_copy(w1x_hbm.at[pl.ds(tb, TOK_PER_TILE)], wv1)
    pltpu.sync_copy(w2x_hbm.at[pl.ds(tb, TOK_PER_TILE)], wv2)
    for ch in range(TOK_PER_TILE // CCH):
        c0 = pltpu.async_copy(
            ys_hbm.at[d0.at[pl.ds(ch * CCH, CCH)]], buf0, sem0)
        c1 = pltpu.async_copy(
            ys_hbm.at[d1.at[pl.ds(ch * CCH, CCH)]], buf1, sem1)
        c0.wait()
        c1.wait()

        @plsc.parallel_loop(0, CCH * (D // 16), step=1, unroll=8)
        def _fma(j):
            t = j >> 6
            i = j & (D // 16 - 1)
            w1v = wv1[ch * CCH + t, :]
            w2v = wv2[ch * CCH + t, :]
            buf0[t, pl.ds(i * 16, 16)] = (
                w1v * buf0[t, pl.ds(i * 16, 16)]
                + w2v * buf1[t, pl.ds(i * 16, 16)])

        pltpu.sync_copy(buf0, out_hbm.at[pl.ds(tb + ch * CCH, CCH)])


def _combine(ys, dest, w1x, w2x):
    f = pl.kernel(
        _combine_body,
        out_type=jax.ShapeDtypeStruct((T, D), jnp.float32),
        mesh=plsc.VectorSubcoreMesh(core_axis_name="c", subcore_axis_name="s"),
        compiler_params=pltpu.CompilerParams(needs_layout_passes=False),
        scratch_types=[
            pltpu.VMEM((TOK_PER_TILE,), jnp.int32),
            pltpu.VMEM((TOK_PER_TILE,), jnp.int32),
            pltpu.VMEM((TOK_PER_TILE, 16), jnp.float32),
            pltpu.VMEM((TOK_PER_TILE, 16), jnp.float32),
            pltpu.VMEM((CCH, D), jnp.float32),
            pltpu.VMEM((CCH, D), jnp.float32),
            pltpu.SemaphoreType.DMA,
            pltpu.SemaphoreType.DMA,
        ],
    )
    return f(ys, dest, w1x, w2x)


def kernel(inputs, Wg, We, be):
    dest, w1x, w2x, eid = _routing(inputs, Wg)
    xs = _dispatch(inputs, dest)
    ys = _expert_matmul(eid.reshape(NB), xs, We, be)
    return _combine(ys, dest, w1x, w2x)

# --- scband reference (transcript-rebuilt; emitter-appended) ---
"""Pipeline reference for scband-mo-e-40467181863492 (READ-ONLY COPY).

The authoritative reference and input builder live on the scoring server;
editing this copy changes nothing except your own understanding.
"""

import jax, jax.numpy as jnp
import numpy as np

T = 2048
D = 1024
E = 8
K = 2

def setup_inputs(seed: int = 0) -> dict:
    key = jax.random.key(seed)
    k1, k2, k3, k4 = jax.random.split(key, 4)
    inputs = jax.random.normal(k1, (T, D), dtype=jnp.float32)
    # gate: nn.Linear(d_model, num_experts, bias=False) -> weight [E, D]
    Wg = jax.random.normal(k2, (E, D), dtype=jnp.float32) * (1.0 / np.sqrt(D))
    # experts: num_experts square linear layers d_model -> d_model, weight [E, D, D] (out, in), bias [E, D]
    We = jax.random.normal(k3, (E, D, D), dtype=jnp.float32) * (1.0 / np.sqrt(D))
    be = jax.random.normal(k4, (E, D), dtype=jnp.float32) * 0.01
    return {"inputs": inputs, "Wg": Wg, "We": We, "be": be}

def reference(inputs, Wg, We, be):
    # gate_logits = self.gate(inputs)
    gate_logits = inputs @ Wg.T  # [T, E]
    # route = top-k selection (weights, selected_experts)
    topw, sel = jax.lax.top_k(gate_logits, K)  # [T, K], [T, K]
    # weights = softmax over the selected-expert logits, dim=1, in float32
    w = jax.nn.softmax(topw.astype(jnp.float32), axis=1).astype(inputs.dtype)  # [T, K]
    # dense-equivalent dispatch/combine: combine[t, e] = sum_k w[t, k] * [sel[t, k] == e]
    onehot = jax.nn.one_hot(sel, E, dtype=inputs.dtype)  # [T, K, E]
    combine = jnp.einsum('tk,tke->te', w, onehot)  # [T, E]
    # expert_i(inputs) = inputs @ We[i].T + be[i]
    expert_out = jnp.einsum('td,eod->teo', inputs, We) + be[None, :, :]  # [T, E, D]
    # results[t] = sum_i combine[t, i] * expert_out[t, i]
    results = jnp.einsum('te,ted->td', combine, expert_out)  # [T, D]
    return results

if __name__ == "__main__":
    import jax
    _d = setup_inputs()
    print(jax.jit(kernel)(*tuple(_d.values())))

</pallas_src>

<mosaic_0001>
#map = affine_map<(d0, d1) -> (0, 0)>
module attributes {stable_mosaic.version = 14 : i64} {
  func.func @_dispatch_body(%arg0: i32, %arg1: i32, %arg2: memref<2048x1024xf32, #tpu.memory_space<hbm>>, %arg3: memref<2x2048xi32, #tpu.memory_space<hbm>>, %arg4: memref<8192x1024xf32, #tpu.memory_space<hbm>>, %arg5: memref<64xi32, #tpu.memory_space<vmem>>, %arg6: memref<64xi32, #tpu.memory_space<vmem>>, %arg7: memref<64x1024xf32, #tpu.memory_space<vmem>>, %arg8: memref<!tpu.dma_semaphore, #tpu.memory_space<semaphore_mem>>, %arg9: memref<!tpu.dma_semaphore, #tpu.memory_space<semaphore_mem>>) attributes {dimension_semantics = [#tpu.dimension_semantics<core_parallel>, #tpu.dimension_semantics<subcore_parallel>], iteration_bounds = array<i64: 2, 16>, scalar_prefetch = 0 : i64, scratch_operands = 5 : i64, tpu.core_type = #tpu.core_type<sc_vector_subcore>, window_params = [{transform_indices = #map}, {transform_indices = #map}, {transform_indices = #map}]} {
    %mul3A = arith.constant 2 : i32
    %mul3A_0 = arith.muli %arg1, %mul3A : i32
    %add3A = arith.addi %mul3A_0, %arg0 : i32
    %mul3A_1 = arith.constant 64 : i32
    %mul3A_2 = arith.muli %add3A, %mul3A_1 : i32
    %run_scoped3A = arith.constant 0 : i32
    "tpu.region"() ({
      %run_scoped3A_14 = tpu.sem_alloc : memref<!tpu.dma_semaphore, #tpu.memory_space<semaphore_mem>>
      %dma_start3A_15 = tpu.memref_slice %arg3[%run_scoped3A, %mul3A_2] : memref<2x2048xi32, #tpu.memory_space<hbm>> -> memref<1x64xi32, #tpu.memory_space<hbm>>
      %dma_start3A_16 = tpu.memref_squeeze %dma_start3A_15 : memref<1x64xi32, #tpu.memory_space<hbm>> -> memref<64xi32, #tpu.memory_space<hbm>>
      %dma_start3A_17 = tpu.memref_slice %arg3[%run_scoped3A, %mul3A_2] : memref<2x2048xi32, #tpu.memory_space<hbm>> -> memref<1x64xi32, #tpu.memory_space<hbm>>
      %dma_start3A_18 = tpu.memref_squeeze %dma_start3A_17 : memref<1x64xi32, #tpu.memory_space<hbm>> -> memref<64xi32, #tpu.memory_space<hbm>>
      tpu.enqueue_dma source(%dma_start3A_18 : memref<64xi32, #tpu.memory_space<hbm>>) target(%arg5 : memref<64xi32, #tpu.memory_space<vmem>>) target_semaphore(%run_scoped3A_14 : memref<!tpu.dma_semaphore, #tpu.memory_space<semaphore_mem>>)
      %dma_wait3A_19 = tpu.memref_slice %arg3[%run_scoped3A, %mul3A_2] : memref<2x2048xi32, #tpu.memory_space<hbm>> -> memref<1x64xi32, #tpu.memory_space<hbm>>
      %dma_wait3A_20 = tpu.memref_squeeze %dma_wait3A_19 : memref<1x64xi32, #tpu.memory_space<hbm>> -> memref<64xi32, #tpu.memory_space<hbm>>
      %dma_wait3A_21 = tpu.memref_slice %arg3[%run_scoped3A, %mul3A_2] : memref<2x2048xi32, #tpu.memory_space<hbm>> -> memref<1x64xi32, #tpu.memory_space<hbm>>
      %dma_wait3A_22 = tpu.memref_squeeze %dma_wait3A_21 : memref<1x64xi32, #tpu.memory_space<hbm>> -> memref<64xi32, #tpu.memory_space<hbm>>
      tpu.wait_dma2 semaphore(%run_scoped3A_14 : memref<!tpu.dma_semaphore, #tpu.memory_space<semaphore_mem>>) src(%dma_wait3A_22 : memref<64xi32, #tpu.memory_space<hbm>>) dst(%arg5 : memref<64xi32, #tpu.memory_space<vmem>>)
      tpu.yield
    }) : () -> ()
    %run_scoped3A_3 = arith.constant 1 : i32
    "tpu.region"() ({
      %run_scoped3A_14 = tpu.sem_alloc : memref<!tpu.dma_semaphore, #tpu.memory_space<semaphore_mem>>
      %dma_start3A_15 = tpu.memref_slice %arg3[%run_scoped3A_3, %mul3A_2] : memref<2x2048xi32, #tpu.memory_space<hbm>> -> memref<1x64xi32, #tpu.memory_space<hbm>>
      %dma_start3A_16 = tpu.memref_squeeze %dma_start3A_15 : memref<1x64xi32, #tpu.memory_space<hbm>> -> memref<64xi32, #tpu.memory_space<hbm>>
      %dma_start3A_17 = tpu.memref_slice %arg3[%run_scoped3A_3, %mul3A_2] : memref<2x2048xi32, #tpu.memory_space<hbm>> -> memref<1x64xi32, #tpu.memory_space<hbm>>
      %dma_start3A_18 = tpu.memref_squeeze %dma_start3A_17 : memref<1x64xi32, #tpu.memory_space<hbm>> -> memref<64xi32, #tpu.memory_space<hbm>>
      tpu.enqueue_dma source(%dma_start3A_18 : memref<64xi32, #tpu.memory_space<hbm>>) target(%arg6 : memref<64xi32, #tpu.memory_space<vmem>>) target_semaphore(%run_scoped3A_14 : memref<!tpu.dma_semaphore, #tpu.memory_space<semaphore_mem>>)
      %dma_wait3A_19 = tpu.memref_slice %arg3[%run_scoped3A_3, %mul3A_2] : memref<2x2048xi32, #tpu.memory_space<hbm>> -> memref<1x64xi32, #tpu.memory_space<hbm>>
      %dma_wait3A_20 = tpu.memref_squeeze %dma_wait3A_19 : memref<1x64xi32, #tpu.memory_space<hbm>> -> memref<64xi32, #tpu.memory_space<hbm>>
      %dma_wait3A_21 = tpu.memref_slice %arg3[%run_scoped3A_3, %mul3A_2] : memref<2x2048xi32, #tpu.memory_space<hbm>> -> memref<1x64xi32, #tpu.memory_space<hbm>>
      %dma_wait3A_22 = tpu.memref_squeeze %dma_wait3A_21 : memref<1x64xi32, #tpu.memory_space<hbm>> -> memref<64xi32, #tpu.memory_space<hbm>>
      tpu.wait_dma2 semaphore(%run_scoped3A_14 : memref<!tpu.dma_semaphore, #tpu.memory_space<semaphore_mem>>) src(%dma_wait3A_22 : memref<64xi32, #tpu.memory_space<hbm>>) dst(%arg6 : memref<64xi32, #tpu.memory_space<vmem>>)
      tpu.yield
    }) : () -> ()
    "tpu.region"() ({
      %run_scoped3A_14 = tpu.sem_alloc : memref<!tpu.dma_semaphore, #tpu.memory_space<semaphore_mem>>
      %dma_start3A_15 = arith.constant 0 : i32
      %dma_start3A_16 = tpu.memref_slice %arg2[%mul3A_2, %dma_start3A_15] : memref<2048x1024xf32, #tpu.memory_space<hbm>> -> memref<64x1024xf32, #tpu.memory_space<hbm>>
      %dma_start3A_17 = arith.constant 0 : i32
      %dma_start3A_18 = tpu.memref_slice %arg2[%mul3A_2, %dma_start3A_17] : memref<2048x1024xf32, #tpu.memory_space<hbm>> -> memref<64x1024xf32, #tpu.memory_space<hbm>>
      tpu.enqueue_dma source(%dma_start3A_18 : memref<64x1024xf32, #tpu.memory_space<hbm>>) target(%arg7 : memref<64x1024xf32, #tpu.memory_space<vmem>>) target_semaphore(%run_scoped3A_14 : memref<!tpu.dma_semaphore, #tpu.memory_space<semaphore_mem>>)
      %dma_wait3A_19 = arith.constant 0 : i32
      %dma_wait3A_20 = tpu.memref_slice %arg2[%mul3A_2, %dma_wait3A_19] : memref<2048x1024xf32, #tpu.memory_space<hbm>> -> memref<64x1024xf32, #tpu.memory_space<hbm>>
      %dma_wait3A_21 = arith.constant 0 : i32
      %dma_wait3A_22 = tpu.memref_slice %arg2[%mul3A_2, %dma_wait3A_21] : memref<2048x1024xf32, #tpu.memory_space<hbm>> -> memref<64x1024xf32, #tpu.memory_space<hbm>>
      tpu.wait_dma2 semaphore(%run_scoped3A_14 : memref<!tpu.dma_semaphore, #tpu.memory_space<semaphore_mem>>) src(%dma_wait3A_22 : memref<64x1024xf32, #tpu.memory_space<hbm>>) dst(%arg7 : memref<64x1024xf32, #tpu.memory_space<vmem>>)
      tpu.yield
    }) : () -> ()
    %dma_start3A = arith.constant 0 : i32
    %dma_start3A_4 = arith.constant 0 : i32
    %dma_start3A_5 = tpu.memref_slice %arg4[%dma_start3A, %dma_start3A_4] : memref<8192x1024xf32, #tpu.memory_space<hbm>> -> memref<8192x1024xf32, #tpu.memory_space<hbm>>
    tpu.enqueue_indirect_dma source(%arg7 : memref<64x1024xf32, #tpu.memory_space<vmem>>) target(%dma_start3A_5 : memref<8192x1024xf32, #tpu.memory_space<hbm>>) offsets(%arg5 : memref<64xi32, #tpu.memory_space<vmem>>) semaphore(%arg8 : memref<!tpu.dma_semaphore, #tpu.memory_space<semaphore_mem>>)
    %dma_start3A_6 = arith.constant 0 : i32
    %dma_start3A_7 = arith.constant 0 : i32
    %dma_start3A_8 = tpu.memref_slice %arg4[%dma_start3A_6, %dma_start3A_7] : memref<8192x1024xf32, #tpu.memory_space<hbm>> -> memref<8192x1024xf32, #tpu.memory_space<hbm>>
    tpu.enqueue_indirect_dma source(%arg7 : memref<64x1024xf32, #tpu.memory_space<vmem>>) target(%dma_start3A_8 : memref<8192x1024xf32, #tpu.memory_space<hbm>>) offsets(%arg6 : memref<64xi32, #tpu.memory_space<vmem>>) semaphore(%arg9 : memref<!tpu.dma_semaphore, #tpu.memory_space<semaphore_mem>>)
    %dma_wait3A = arith.constant 0 : i32
    %dma_wait3A_9 = arith.constant 0 : i32
    %dma_wait3A_10 = tpu.memref_slice %arg4[%dma_wait3A, %dma_wait3A_9] : memref<8192x1024xf32, #tpu.memory_space<hbm>> -> memref<8192x1024xf32, #tpu.memory_space<hbm>>
    tpu.wait_indirect_dma semaphore(%arg8 : memref<!tpu.dma_semaphore, #tpu.memory_space<semaphore_mem>>) src(%arg7 : memref<64x1024xf32, #tpu.memory_space<vmem>>) dst(%dma_wait3A_10 : memref<8192x1024xf32, #tpu.memory_space<hbm>>)
    %dma_wait3A_11 = arith.constant 0 : i32
    %dma_wait3A_12 = arith.constant 0 : i32
    %dma_wait3A_13 = tpu.memref_slice %arg4[%dma_wait3A_11, %dma_wait3A_12] : memref<8192x1024xf32, #tpu.memory_space<hbm>> -> memref<8192x1024xf32, #tpu.memory_space<hbm>>
    tpu.wait_indirect_dma semaphore(%arg9 : memref<!tpu.dma_semaphore, #tpu.memory_space<semaphore_mem>>) src(%arg7 : memref<64x1024xf32, #tpu.memory_space<vmem>>) dst(%dma_wait3A_13 : memref<8192x1024xf32, #tpu.memory_space<hbm>>)
    return
  }
}

#map = affine_map<(d0, d1) -> (0, 0)>
module attributes {stable_mosaic.version = 14 : i64} {
  func.func @_combine_body(%arg0: i32, %arg1: i32, %arg2: memref<8192x1024xf32, #tpu.memory_space<hbm>>, %arg3: memref<2x2048xi32, #tpu.memory_space<hbm>>, %arg4: memref<2048x16xf32, #tpu.memory_space<hbm>>, %arg5: memref<2048x16xf32, #tpu.memory_space<hbm>>, %arg6: memref<2048x1024xf32, #tpu.memory_space<hbm>>, %arg7: memref<64xi32, #tpu.memory_space<vmem>>, %arg8: memref<64xi32, #tpu.memory_space<vmem>>, %arg9: memref<64x16xf32, #tpu.memory_space<vmem>>, %arg10: memref<64x16xf32, #tpu.memory_space<vmem>>, %arg11: memref<32x1024xf32, #tpu.memory_space<vmem>>, %arg12: memref<32x1024xf32, #tpu.memory_space<vmem>>, %arg13: memref<!tpu.dma_semaphore, #tpu.memory_space<semaphore_mem>>, %arg14: memref<!tpu.dma_semaphore, #tpu.memory_space<semaphore_mem>>) attributes {dimension_semantics = [#tpu.dimension_semantics<core_parallel>, #tpu.dimension_semantics<subcore_parallel>], iteration_bounds = array<i64: 2, 16>, scalar_prefetch = 0 : i64, scratch_operands = 8 : i64, tpu.core_type = #tpu.core_type<sc_vector_subcore>, window_params = [{transform_indices = #map}, {transform_indices = #map}, {transform_indices = #map}, {transform_indices = #map}, {transform_indices = #map}]} {
    %mul3A = arith.constant 2 : i32
    %mul3A_0 = arith.muli %arg1, %mul3A : i32
    %add3A = arith.addi %mul3A_0, %arg0 : i32
    %mul3A_1 = arith.constant 64 : i32
    %mul3A_2 = arith.muli %add3A, %mul3A_1 : i32
    %run_scoped3A = arith.constant 0 : i32
    "tpu.region"() ({
      %run_scoped3A_51 = tpu.sem_alloc : memref<!tpu.dma_semaphore, #tpu.memory_space<semaphore_mem>>
      %dma_start3A_52 = tpu.memref_slice %arg3[%run_scoped3A, %mul3A_2] : memref<2x2048xi32, #tpu.memory_space<hbm>> -> memref<1x64xi32, #tpu.memory_space<hbm>>
      %dma_start3A_53 = tpu.memref_squeeze %dma_start3A_52 : memref<1x64xi32, #tpu.memory_space<hbm>> -> memref<64xi32, #tpu.memory_space<hbm>>
      %dma_start3A_54 = tpu.memref_slice %arg3[%run_scoped3A, %mul3A_2] : memref<2x2048xi32, #tpu.memory_space<hbm>> -> memref<1x64xi32, #tpu.memory_space<hbm>>
      %dma_start3A_55 = tpu.memref_squeeze %dma_start3A_54 : memref<1x64xi32, #tpu.memory_space<hbm>> -> memref<64xi32, #tpu.memory_space<hbm>>
      tpu.enqueue_dma source(%dma_start3A_55 : memref<64xi32, #tpu.memory_space<hbm>>) target(%arg7 : memref<64xi32, #tpu.memory_space<vmem>>) target_semaphore(%run_scoped3A_51 : memref<!tpu.dma_semaphore, #tpu.memory_space<semaphore_mem>>)
      %dma_wait3A_56 = tpu.memref_slice %arg3[%run_scoped3A, %mul3A_2] : memref<2x2048xi32, #tpu.memory_space<hbm>> -> memref<1x64xi32, #tpu.memory_space<hbm>>
      %dma_wait3A_57 = tpu.memref_squeeze %dma_wait3A_56 : memref<1x64xi32, #tpu.memory_space<hbm>> -> memref<64xi32, #tpu.memory_space<hbm>>
      %dma_wait3A_58 = tpu.memref_slice %arg3[%run_scoped3A, %mul3A_2] : memref<2x2048xi32, #tpu.memory_space<hbm>> -> memref<1x64xi32, #tpu.memory_space<hbm>>
      %dma_wait3A_59 = tpu.memref_squeeze %dma_wait3A_58 : memref<1x64xi32, #tpu.memory_space<hbm>> -> memref<64xi32, #tpu.memory_space<hbm>>
      tpu.wait_dma2 semaphore(%run_scoped3A_51 : memref<!tpu.dma_semaphore, #tpu.memory_space<semaphore_mem>>) src(%dma_wait3A_59 : memref<64xi32, #tpu.memory_space<hbm>>) dst(%arg7 : memref<64xi32, #tpu.memory_space<vmem>>)
      tpu.yield
    }) : () -> ()
    %run_scoped3A_3 = arith.constant 1 : i32
    "tpu.region"() ({
      %run_scoped3A_51 = tpu.sem_alloc : memref<!tpu.dma_semaphore, #tpu.memory_space<semaphore_mem>>
      %dma_start3A_52 = tpu.memref_slice %arg3[%run_scoped3A_3, %mul3A_2] : memref<2x2048xi32, #tpu.memory_space<hbm>> -> memref<1x64xi32, #tpu.memory_space<hbm>>
      %dma_start3A_53 = tpu.memref_squeeze %dma_start3A_52 : memref<1x64xi32, #tpu.memory_space<hbm>> -> memref<64xi32, #tpu.memory_space<hbm>>
      %dma_start3A_54 = tpu.memref_slice %arg3[%run_scoped3A_3, %mul3A_2] : memref<2x2048xi32, #tpu.memory_space<hbm>> -> memref<1x64xi32, #tpu.memory_space<hbm>>
      %dma_start3A_55 = tpu.memref_squeeze %dma_start3A_54 : memref<1x64xi32, #tpu.memory_space<hbm>> -> memref<64xi32, #tpu.memory_space<hbm>>
      tpu.enqueue_dma source(%dma_start3A_55 : memref<64xi32, #tpu.memory_space<hbm>>) target(%arg8 : memref<64xi32, #tpu.memory_space<vmem>>) target_semaphore(%run_scoped3A_51 : memref<!tpu.dma_semaphore, #tpu.memory_space<semaphore_mem>>)
      %dma_wait3A_56 = tpu.memref_slice %arg3[%run_scoped3A_3, %mul3A_2] : memref<2x2048xi32, #tpu.memory_space<hbm>> -> memref<1x64xi32, #tpu.memory_space<hbm>>
      %dma_wait3A_57 = tpu.memref_squeeze %dma_wait3A_56 : memref<1x64xi32, #tpu.memory_space<hbm>> -> memref<64xi32, #tpu.memory_space<hbm>>
      %dma_wait3A_58 = tpu.memref_slice %arg3[%run_scoped3A_3, %mul3A_2] : memref<2x2048xi32, #tpu.memory_space<hbm>> -> memref<1x64xi32, #tpu.memory_space<hbm>>
      %dma_wait3A_59 = tpu.memref_squeeze %dma_wait3A_58 : memref<1x64xi32, #tpu.memory_space<hbm>> -> memref<64xi32, #tpu.memory_space<hbm>>
      tpu.wait_dma2 semaphore(%run_scoped3A_51 : memref<!tpu.dma_semaphore, #tpu.memory_space<semaphore_mem>>) src(%dma_wait3A_59 : memref<64xi32, #tpu.memory_space<hbm>>) dst(%arg8 : memref<64xi32, #tpu.memory_space<vmem>>)
      tpu.yield
    }) : () -> ()
    "tpu.region"() ({
      %run_scoped3A_51 = tpu.sem_alloc : memref<!tpu.dma_semaphore, #tpu.memory_space<semaphore_mem>>
      %dma_start3A_52 = arith.constant 0 : i32
      %dma_start3A_53 = tpu.memref_slice %arg4[%mul3A_2, %dma_start3A_52] : memref<2048x16xf32, #tpu.memory_space<hbm>> -> memref<64x16xf32, #tpu.memory_space<hbm>>
      %dma_start3A_54 = arith.constant 0 : i32
      %dma_start3A_55 = tpu.memref_slice %arg4[%mul3A_2, %dma_start3A_54] : memref<2048x16xf32, #tpu.memory_space<hbm>> -> memref<64x16xf32, #tpu.memory_space<hbm>>
      tpu.enqueue_dma source(%dma_start3A_55 : memref<64x16xf32, #tpu.memory_space<hbm>>) target(%arg9 : memref<64x16xf32, #tpu.memory_space<vmem>>) target_semaphore(%run_scoped3A_51 : memref<!tpu.dma_semaphore, #tpu.memory_space<semaphore_mem>>)
      %dma_wait3A_56 = arith.constant 0 : i32
      %dma_wait3A_57 = tpu.memref_slice %arg4[%mul3A_2, %dma_wait3A_56] : memref<2048x16xf32, #tpu.memory_space<hbm>> -> memref<64x16xf32, #tpu.memory_space<hbm>>
      %dma_wait3A_58 = arith.constant 0 : i32
      %dma_wait3A_59 = tpu.memref_slice %arg4[%mul3A_2, %dma_wait3A_58] : memref<2048x16xf32, #tpu.memory_space<hbm>> -> memref<64x16xf32, #tpu.memory_space<hbm>>
      tpu.wait_dma2 semaphore(%run_scoped3A_51 : memref<!tpu.dma_semaphore, #tpu.memory_space<semaphore_mem>>) src(%dma_wait3A_59 : memref<64x16xf32, #tpu.memory_space<hbm>>) dst(%arg9 : memref<64x16xf32, #tpu.memory_space<vmem>>)
      tpu.yield
    }) : () -> ()
    "tpu.region"() ({
      %run_scoped3A_51 = tpu.sem_alloc : memref<!tpu.dma_semaphore, #tpu.memory_space<semaphore_mem>>
      %dma_start3A_52 = arith.constant 0 : i32
      %dma_start3A_53 = tpu.memref_slice %arg5[%mul3A_2, %dma_start3A_52] : memref<2048x16xf32, #tpu.memory_space<hbm>> -> memref<64x16xf32, #tpu.memory_space<hbm>>
      %dma_start3A_54 = arith.constant 0 : i32
      %dma_start3A_55 = tpu.memref_slice %arg5[%mul3A_2, %dma_start3A_54] : memref<2048x16xf32, #tpu.memory_space<hbm>> -> memref<64x16xf32, #tpu.memory_space<hbm>>
      tpu.enqueue_dma source(%dma_start3A_55 : memref<64x16xf32, #tpu.memory_space<hbm>>) target(%arg10 : memref<64x16xf32, #tpu.memory_space<vmem>>) target_semaphore(%run_scoped3A_51 : memref<!tpu.dma_semaphore, #tpu.memory_space<semaphore_mem>>)
      %dma_wait3A_56 = arith.constant 0 : i32
      %dma_wait3A_57 = tpu.memref_slice %arg5[%mul3A_2, %dma_wait3A_56] : memref<2048x16xf32, #tpu.memory_space<hbm>> -> memref<64x16xf32, #tpu.memory_space<hbm>>
      %dma_wait3A_58 = arith.constant 0 : i32
      %dma_wait3A_59 = tpu.memref_slice %arg5[%mul3A_2, %dma_wait3A_58] : memref<2048x16xf32, #tpu.memory_space<hbm>> -> memref<64x16xf32, #tpu.memory_space<hbm>>
      tpu.wait_dma2 semaphore(%run_scoped3A_51 : memref<!tpu.dma_semaphore, #tpu.memory_space<semaphore_mem>>) src(%dma_wait3A_59 : memref<64x16xf32, #tpu.memory_space<hbm>>) dst(%arg10 : memref<64x16xf32, #tpu.memory_space<vmem>>)
      tpu.yield
    }) : () -> ()
    %dma_start3A = arith.constant 0 : i32
    %dma_start3A_4 = tpu.memref_slice %arg7[%dma_start3A] : memref<64xi32, #tpu.memory_space<vmem>> -> memref<32xi32, #tpu.memory_space<vmem>>
    %dma_start3A_5 = arith.constant 0 : i32
    %dma_start3A_6 = arith.constant 0 : i32
    %dma_start3A_7 = tpu.memref_slice %arg2[%dma_start3A_5, %dma_start3A_6] : memref<8192x1024xf32, #tpu.memory_space<hbm>> -> memref<8192x1024xf32, #tpu.memory_space<hbm>>
    tpu.enqueue_indirect_dma source(%dma_start3A_7 : memref<8192x1024xf32, #tpu.memory_space<hbm>>) target(%arg11 : memref<32x1024xf32, #tpu.memory_space<vmem>>) offsets(%dma_start3A_4 : memref<32xi32, #tpu.memory_space<vmem>>) semaphore(%arg13 : memref<!tpu.dma_semaphore, #tpu.memory_space<semaphore_mem>>)
    %dma_start3A_8 = arith.constant 0 : i32
    %dma_start3A_9 = tpu.memref_slice %arg8[%dma_start3A_8] : memref<64xi32, #tpu.memory_space<vmem>> -> memref<32xi32, #tpu.memory_space<vmem>>
    %dma_start3A_10 = arith.constant 0 : i32
    %dma_start3A_11 = arith.constant 0 : i32
    %dma_start3A_12 = tpu.memref_slice %arg2[%dma_start3A_10, %dma_start3A_11] : memref<8192x1024xf32, #tpu.memory_space<hbm>> -> memref<8192x1024xf32, #tpu.memory_space<hbm>>
    tpu.enqueue_indirect_dma source(%dma_start3A_12 : memref<8192x1024xf32, #tpu.memory_space<hbm>>) target(%arg12 : memref<32x1024xf32, #tpu.memory_space<vmem>>) offsets(%dma_start3A_9 : memref<32xi32, #tpu.memory_space<vmem>>) semaphore(%arg14 : memref<!tpu.dma_semaphore, #tpu.memory_space<semaphore_mem>>)
    %dma_wait3A = arith.constant 0 : i32
    %dma_wait3A_13 = tpu.memref_slice %arg7[%dma_wait3A] : memref<64xi32, #tpu.memory_space<vmem>> -> memref<32xi32, #tpu.memory_space<vmem>>
    %dma_wait3A_14 = arith.constant 0 : i32
    %dma_wait3A_15 = arith.constant 0 : i32
    %dma_wait3A_16 = tpu.memref_slice %arg2[%dma_wait3A_14, %dma_wait3A_15] : memref<8192x1024xf32, #tpu.memory_space<hbm>> -> memref<8192x1024xf32, #tpu.memory_space<hbm>>
    tpu.wait_indirect_dma semaphore(%arg13 : memref<!tpu.dma_semaphore, #tpu.memory_space<semaphore_mem>>) src(%dma_wait3A_16 : memref<8192x1024xf32, #tpu.memory_space<hbm>>) dst(%arg11 : memref<32x1024xf32, #tpu.memory_space<vmem>>)
    %dma_wait3A_17 = arith.constant 0 : i32
    %dma_wait3A_18 = tpu.memref_slice %arg8[%dma_wait3A_17] : memref<64xi32, #tpu.memory_space<vmem>> -> memref<32xi32, #tpu.memory_space<vmem>>
    %dma_wait3A_19 = arith.constant 0 : i32
    %dma_wait3A_20 = arith.constant 0 : i32
    %dma_wait3A_21 = tpu.memref_slice %arg2[%dma_wait3A_19, %dma_wait3A_20] : memref<8192x1024xf32, #tpu.memory_space<hbm>> -> memref<8192x1024xf32, #tpu.memory_space<hbm>>
    tpu.wait_indirect_dma semaphore(%arg14 : memref<!tpu.dma_semaphore, #tpu.memory_space<semaphore_mem>>) src(%dma_wait3A_21 : memref<8192x1024xf32, #tpu.memory_space<hbm>>) dst(%arg12 : memref<32x1024xf32, #tpu.memory_space<vmem>>)
    %parallel_loop3A = arith.constant 0 : i32
    %parallel_loop3A_22 = arith.constant 2048 : i32
    %parallel_loop3A_23 = arith.constant 1 : i32
    scf.for %parallel_loop3A_51 = %parallel_loop3A to %parallel_loop3A_22 step %parallel_loop3A_23  : i32 {
      %parallel_loop3A_52 = arith.constant 6 : i32
      %parallel_loop3A_53 = arith.shrsi %parallel_loop3A_51, %parallel_loop3A_52 : i32
      %parallel_loop3A_54 = arith.constant 63 : i32
      %parallel_loop3A_55 = arith.andi %parallel_loop3A_51, %parallel_loop3A_54 : i32
      %parallel_loop3A_56 = arith.constant 0 : i32
      %parallel_loop3A_57 = arith.addi %parallel_loop3A_56, %parallel_loop3A_53 : i32
      %parallel_loop3A_58 = arith.index_cast %parallel_loop3A_57 : i32 to index
      %parallel_loop3A_59 = arith.constant 0 : index
      %parallel_loop3A_60 = tpu.vector_load %arg9[%parallel_loop3A_58, %parallel_loop3A_59] {strides = array<i32>} : memref<64x16xf32, #tpu.memory_space<vmem>>, vector<16xf32>,
      %parallel_loop3A_61 = arith.constant 0 : i32
      %parallel_loop3A_62 = arith.addi %parallel_loop3A_61, %parallel_loop3A_53 : i32
      %parallel_loop3A_63 = arith.index_cast %parallel_loop3A_62 : i32 to index
      %parallel_loop3A_64 = arith.constant 0 : index
      %parallel_loop3A_65 = tpu.vector_load %arg10[%parallel_loop3A_63, %parallel_loop3A_64] {strides = array<i32>} : memref<64x16xf32, #tpu.memory_space<vmem>>, vector<16xf32>,
      %parallel_loop3A_66 = arith.constant 16 : i32
      %parallel_loop3A_67 = arith.muli %parallel_loop3A_55, %parallel_loop3A_66 : i32
      %parallel_loop3A_68 = arith.index_cast %parallel_loop3A_53 : i32 to index
      %parallel_loop3A_69 = arith.index_cast %parallel_loop3A_67 : i32 to index
      %parallel_loop3A_70 = tpu.vector_load %arg11[%parallel_loop3A_68, %parallel_loop3A_69] {strides = array<i32>} : memref<32x1024xf32, #tpu.memory_space<vmem>>, vector<16xf32>,
      %parallel_loop3A_71 = arith.mulf %parallel_loop3A_60, %parallel_loop3A_70 : vector<16xf32>
      %parallel_loop3A_72 = arith.constant 16 : i32
      %parallel_loop3A_73 = arith.muli %parallel_loop3A_55, %parallel_loop3A_72 : i32
      %parallel_loop3A_74 = arith.index_cast %parallel_loop3A_53 : i32 to index
      %parallel_loop3A_75 = arith.index_cast %parallel_loop3A_73 : i32 to index
      %parallel_loop3A_76 = tpu.vector_load %arg12[%parallel_loop3A_74, %parallel_loop3A_75] {strides = array<i32>} : memref<32x1024xf32, #tpu.memory_space<vmem>>, vector<16xf32>,
      %parallel_loop3A_77 = arith.mulf %parallel_loop3A_65, %parallel_loop3A_76 : vector<16xf32>
      %parallel_loop3A_78 = arith.addf %parallel_loop3A_71, %parallel_loop3A_77 : vector<16xf32>
      %parallel_loop3A_79 = arith.constant 16 : i32
      %parallel_loop3A_80 = arith.muli %parallel_loop3A_55, %parallel_loop3A_79 : i32
      %parallel_loop3A_81 = arith.index_cast %parallel_loop3A_53 : i32 to index
      %parallel_loop3A_82 = arith.index_cast %parallel_loop3A_80 : i32 to index
      %parallel_loop3A_83 = tpu.vector_load %arg11[%parallel_loop3A_81, %parallel_loop3A_82] {strides = array<i32>} : memref<32x1024xf32, #tpu.memory_space<vmem>>, vector<16xf32>,
      tpu.vector_store %arg11[%parallel_loop3A_81, %parallel_loop3A_82], %parallel_loop3A_78 {strides = array<i32>} : memref<32x1024xf32, #tpu.memory_space<vmem>>, vector<16xf32>,
    } {sc.loop_unroll_factor = 8 : i64, sc.parallel_access}
    %add3A_24 = arith.constant 0 : i32
    %add3A_25 = arith.addi %mul3A_2, %add3A_24 : i32
    "tpu.region"() ({
      %run_scoped3A_51 = tpu.sem_alloc : memref<!tpu.dma_semaphore, #tpu.memory_space<semaphore_mem>>
      %dma_start3A_52 = arith.constant 0 : i32
      %dma_start3A_53 = tpu.memref_slice %arg6[%add3A_25, %dma_start3A_52] : memref<2048x1024xf32, #tpu.memory_space<hbm>> -> memref<32x1024xf32, #tpu.memory_space<hbm>>
      %dma_start3A_54 = arith.constant 0 : i32
      %dma_start3A_55 = tpu.memref_slice %arg6[%add3A_25, %dma_start3A_54] : memref<2048x1024xf32, #tpu.memory_space<hbm>> -> memref<32x1024xf32, #tpu.memory_space<hbm>>
      tpu.enqueue_dma source(%arg11 : memref<32x1024xf32, #tpu.memory_space<vmem>>) target(%dma_start3A_55 : memref<32x1024xf32, #tpu.memory_space<hbm>>) target_semaphore(%run_scoped3A_51 : memref<!tpu.dma_semaphore, #tpu.memory_space<semaphore_mem>>)
      %dma_wait3A_56 = arith.constant 0 : i32
      %dma_wait3A_57 = tpu.memref_slice %arg6[%add3A_25, %dma_wait3A_56] : memref<2048x1024xf32, #tpu.memory_space<hbm>> -> memref<32x1024xf32, #tpu.memory_space<hbm>>
      %dma_wait3A_58 = arith.constant 0 : i32
      %dma_wait3A_59 = tpu.memref_slice %arg6[%add3A_25, %dma_wait3A_58] : memref<2048x1024xf32, #tpu.memory_space<hbm>> -> memref<32x1024xf32, #tpu.memory_space<hbm>>
      tpu.wait_dma2 semaphore(%run_scoped3A_51 : memref<!tpu.dma_semaphore, #tpu.memory_space<semaphore_mem>>) src(%arg11 : memref<32x1024xf32, #tpu.memory_space<vmem>>) dst(%dma_wait3A_59 : memref<32x1024xf32, #tpu.memory_space<hbm>>)
      tpu.yield
    }) : () -> ()
    %dma_start3A_26 = arith.constant 32 : i32
    %dma_start3A_27 = tpu.memref_slice %arg7[%dma_start3A_26] : memref<64xi32, #tpu.memory_space<vmem>> -> memref<32xi32, #tpu.memory_space<vmem>>
    %dma_start3A_28 = arith.constant 0 : i32
    %dma_start3A_29 = arith.constant 0 : i32
    %dma_start3A_30 = tpu.memref_slice %arg2[%dma_start3A_28, %dma_start3A_29] : memref<8192x1024xf32, #tpu.memory_space<hbm>> -> memref<8192x1024xf32, #tpu.memory_space<hbm>>
    tpu.enqueue_indirect_dma source(%dma_start3A_30 : memref<8192x1024xf32, #tpu.memory_space<hbm>>) target(%arg11 : memref<32x1024xf32, #tpu.memory_space<vmem>>) offsets(%dma_start3A_27 : memref<32xi32, #tpu.memory_space<vmem>>) semaphore(%arg13 : memref<!tpu.dma_semaphore, #tpu.memory_space<semaphore_mem>>)
    %dma_start3A_31 = arith.constant 32 : i32
    %dma_start3A_32 = tpu.memref_slice %arg8[%dma_start3A_31] : memref<64xi32, #tpu.memory_space<vmem>> -> memref<32xi32, #tpu.memory_space<vmem>>
    %dma_start3A_33 = arith.constant 0 : i32
    %dma_start3A_34 = arith.constant 0 : i32
    %dma_start3A_35 = tpu.memref_slice %arg2[%dma_start3A_33, %dma_start3A_34] : memref<8192x1024xf32, #tpu.memory_space<hbm>> -> memref<8192x1024xf32, #tpu.memory_space<hbm>>
    tpu.enqueue_indirect_dma source(%dma_start3A_35 : memref<8192x1024xf32, #tpu.memory_space<hbm>>) target(%arg12 : memref<32x1024xf32, #tpu.memory_space<vmem>>) offsets(%dma_start3A_32 : memref<32xi32, #tpu.memory_space<vmem>>) semaphore(%arg14 : memref<!tpu.dma_semaphore, #tpu.memory_space<semaphore_mem>>)
    %dma_wait3A_36 = arith.constant 32 : i32
    %dma_wait3A_37 = tpu.memref_slice %arg7[%dma_wait3A_36] : memref<64xi32, #tpu.memory_space<vmem>> -> memref<32xi32, #tpu.memory_space<vmem>>
    %dma_wait3A_38 = arith.constant 0 : i32
    %dma_wait3A_39 = arith.constant 0 : i32
    %dma_wait3A_40 = tpu.memref_slice %arg2[%dma_wait3A_38, %dma_wait3A_39] : memref<8192x1024xf32, #tpu.memory_space<hbm>> -> memref<8192x1024xf32, #tpu.memory_space<hbm>>
    tpu.wait_indirect_dma semaphore(%arg13 : memref<!tpu.dma_semaphore, #tpu.memory_space<semaphore_mem>>) src(%dma_wait3A_40 : memref<8192x1024xf32, #tpu.memory_space<hbm>>) dst(%arg11 : memref<32x1024xf32, #tpu.memory_space<vmem>>)
    %dma_wait3A_41 = arith.constant 32 : i32
    %dma_wait3A_42 = tpu.memref_slice %arg8[%dma_wait3A_41] : memref<64xi32, #tpu.memory_space<vmem>> -> memref<32xi32, #tpu.memory_space<vmem>>
    %dma_wait3A_43 = arith.constant 0 : i32
    %dma_wait3A_44 = arith.constant 0 : i32
    %dma_wait3A_45 = tpu.memref_slice %arg2[%dma_wait3A_43, %dma_wait3A_44] : memref<8192x1024xf32, #tpu.memory_space<hbm>> -> memref<8192x1024xf32, #tpu.memory_space<hbm>>
    tpu.wait_indirect_dma semaphore(%arg14 : memref<!tpu.dma_semaphore, #tpu.memory_space<semaphore_mem>>) src(%dma_wait3A_45 : memref<8192x1024xf32, #tpu.memory_space<hbm>>) dst(%arg12 : memref<32x1024xf32, #tpu.memory_space<vmem>>)
    %parallel_loop3A_46 = arith.constant 0 : i32
    %parallel_loop3A_47 = arith.constant 2048 : i32
    %parallel_loop3A_48 = arith.constant 1 : i32
    scf.for %parallel_loop3A_51 = %parallel_loop3A_46 to %parallel_loop3A_47 step %parallel_loop3A_48  : i32 {
      %parallel_loop3A_52 = arith.constant 6 : i32
      %parallel_loop3A_53 = arith.shrsi %parallel_loop3A_51, %parallel_loop3A_52 : i32
      %parallel_loop3A_54 = arith.constant 63 : i32
      %parallel_loop3A_55 = arith.andi %parallel_loop3A_51, %parallel_loop3A_54 : i32
      %parallel_loop3A_56 = arith.constant 32 : i32
      %parallel_loop3A_57 = arith.addi %parallel_loop3A_56, %parallel_loop3A_53 : i32
      %parallel_loop3A_58 = arith.index_cast %parallel_loop3A_57 : i32 to index
      %parallel_loop3A_59 = arith.constant 0 : index
      %parallel_loop3A_60 = tpu.vector_load %arg9[%parallel_loop3A_58, %parallel_loop3A_59] {strides = array<i32>} : memref<64x16xf32, #tpu.memory_space<vmem>>, vector<16xf32>,
      %parallel_loop3A_61 = arith.constant 32 : i32
      %parallel_loop3A_62 = arith.addi %parallel_loop3A_61, %parallel_loop3A_53 : i32
      %parallel_loop3A_63 = arith.index_cast %parallel_loop3A_62 : i32 to index
      %parallel_loop3A_64 = arith.constant 0 : index
      %parallel_loop3A_65 = tpu.vector_load %arg10[%parallel_loop3A_63, %parallel_loop3A_64] {strides = array<i32>} : memref<64x16xf32, #tpu.memory_space<vmem>>, vector<16xf32>,
      %parallel_loop3A_66 = arith.constant 16 : i32
      %parallel_loop3A_67 = arith.muli %parallel_loop3A_55, %parallel_loop3A_66 : i32
      %parallel_loop3A_68 = arith.index_cast %parallel_loop3A_53 : i32 to index
      %parallel_loop3A_69 = arith.index_cast %parallel_loop3A_67 : i32 to index
      %parallel_loop3A_70 = tpu.vector_load %arg11[%parallel_loop3A_68, %parallel_loop3A_69] {strides = array<i32>} : memref<32x1024xf32, #tpu.memory_space<vmem>>, vector<16xf32>,
      %parallel_loop3A_71 = arith.mulf %parallel_loop3A_60, %parallel_loop3A_70 : vector<16xf32>
      %parallel_loop3A_72 = arith.constant 16 : i32
      %parallel_loop3A_73 = arith.muli %parallel_loop3A_55, %parallel_loop3A_72 : i32
      %parallel_loop3A_74 = arith.index_cast %parallel_loop3A_53 : i32 to index
      %parallel_loop3A_75 = arith.index_cast %parallel_loop3A_73 : i32 to index
      %parallel_loop3A_76 = tpu.vector_load %arg12[%parallel_loop3A_74, %parallel_loop3A_75] {strides = array<i32>} : memref<32x1024xf32, #tpu.memory_space<vmem>>, vector<16xf32>,
      %parallel_loop3A_77 = arith.mulf %parallel_loop3A_65, %parallel_loop3A_76 : vector<16xf32>
      %parallel_loop3A_78 = arith.addf %parallel_loop3A_71, %parallel_loop3A_77 : vector<16xf32>
      %parallel_loop3A_79 = arith.constant 16 : i32
      %parallel_loop3A_80 = arith.muli %parallel_loop3A_55, %parallel_loop3A_79 : i32
      %parallel_loop3A_81 = arith.index_cast %parallel_loop3A_53 : i32 to index
      %parallel_loop3A_82 = arith.index_cast %parallel_loop3A_80 : i32 to index
      %parallel_loop3A_83 = tpu.vector_load %arg11[%parallel_loop3A_81, %parallel_loop3A_82] {strides = array<i32>} : memref<32x1024xf32, #tpu.memory_space<vmem>>, vector<16xf32>,
      tpu.vector_store %arg11[%parallel_loop3A_81, %parallel_loop3A_82], %parallel_loop3A_78 {strides = array<i32>} : memref<32x1024xf32, #tpu.memory_space<vmem>>, vector<16xf32>,
    } {sc.loop_unroll_factor = 8 : i64, sc.parallel_access}
    %add3A_49 = arith.constant 32 : i32
    %add3A_50 = arith.addi %mul3A_2, %add3A_49 : i32
    "tpu.region"() ({
      %run_scoped3A_51 = tpu.sem_alloc : memref<!tpu.dma_semaphore, #tpu.memory_space<semaphore_mem>>
      %dma_start3A_52 = arith.constant 0 : i32
      %dma_start3A_53 = tpu.memref_slice %arg6[%add3A_50, %dma_start3A_52] : memref<2048x1024xf32, #tpu.memory_space<hbm>> -> memref<32x1024xf32, #tpu.memory_space<hbm>>
      %dma_start3A_54 = arith.constant 0 : i32
      %dma_start3A_55 = tpu.memref_slice %arg6[%add3A_50, %dma_start3A_54] : memref<2048x1024xf32, #tpu.memory_space<hbm>> -> memref<32x1024xf32, #tpu.memory_space<hbm>>
      tpu.enqueue_dma source(%arg11 : memref<32x1024xf32, #tpu.memory_space<vmem>>) target(%dma_start3A_55 : memref<32x1024xf32, #tpu.memory_space<hbm>>) target_semaphore(%run_scoped3A_51 : memref<!tpu.dma_semaphore, #tpu.memory_space<semaphore_mem>>)
      %dma_wait3A_56 = arith.constant 0 : i32
      %dma_wait3A_57 = tpu.memref_slice %arg6[%add3A_50, %dma_wait3A_56] : memref<2048x1024xf32, #tpu.memory_space<hbm>> -> memref<32x1024xf32, #tpu.memory_space<hbm>>
      %dma_wait3A_58 = arith.constant 0 : i32
      %dma_wait3A_59 = tpu.memref_slice %arg6[%add3A_50, %dma_wait3A_58] : memref<2048x1024xf32, #tpu.memory_space<hbm>> -> memref<32x1024xf32, #tpu.memory_space<hbm>>
      tpu.wait_dma2 semaphore(%run_scoped3A_51 : memref<!tpu.dma_semaphore, #tpu.memory_space<semaphore_mem>>) src(%arg11 : memref<32x1024xf32, #tpu.memory_space<vmem>>) dst(%dma_wait3A_59 : memref<32x1024xf32, #tpu.memory_space<hbm>>)
      tpu.yield
    }) : () -> ()
    return
  }
}

module attributes {stable_mosaic.version = 14 : i64} {
  func.func @_routing_body(%arg0: i32, %arg1: memref<2048x1024xf32, #tpu.memory_space<vmem>>, %arg2: memref<8x1024xf32, #tpu.memory_space<vmem>>, %arg3: memref<2x2048xi32, #tpu.memory_space<vmem>>, %arg4: memref<2048x16xf32, #tpu.memory_space<vmem>>, %arg5: memref<2048x16xf32, #tpu.memory_space<vmem>>, %arg6: memref<1x16xi32, #tpu.memory_space<vmem>>) attributes {dimension_semantics = [#tpu.dimension_semantics<arbitrary>], iteration_bounds = array<i64: 1>, scalar_prefetch = 0 : i64, scratch_operands = 0 : i64, tpu.core_type = #tpu.core_type<tc>, window_params = [{pipeline_mode = #tpu.pipeline_mode<synchronous>, transform_indices = @transform_0, window_bounds = array<i64: 2048, 1024>}, {pipeline_mode = #tpu.pipeline_mode<synchronous>, transform_indices = @transform_1, window_bounds = array<i64: 8, 1024>}, {pipeline_mode = #tpu.pipeline_mode<synchronous>, transform_indices = @transform_2, window_bounds = array<i64: 2, 2048>}, {pipeline_mode = #tpu.pipeline_mode<synchronous>, transform_indices = @transform_3, window_bounds = array<i64: 2048, 16>}, {pipeline_mode = #tpu.pipeline_mode<synchronous>, transform_indices = @transform_4, window_bounds = array<i64: 2048, 16>}, {pipeline_mode = #tpu.pipeline_mode<synchronous>, transform_indices = @transform_5, window_bounds = array<i64: 1, 16>}]} {
    %get3A = arith.constant 0 : index
    %get3A_0 = arith.constant 0 : index
    %get3A_1 = vector.load %arg2[%get3A, %get3A_0] : memref<8x1024xf32, #tpu.memory_space<vmem>>, vector<8x1024xf32>
    %get3A_2 = arith.constant 0 : index
    %get3A_3 = arith.constant 0 : index
    %get3A_4 = vector.load %arg1[%get3A_2, %get3A_3] : memref<2048x1024xf32, #tpu.memory_space<vmem>>, vector<2048x1024xf32>
    %dot_general3A = arith.constant dense<0.000000e+00> : vector<8x2048xf32>
    %dot_general3A_5 = tpu.matmul %get3A_1, %get3A_4, %dot_general3A {dimension_numbers = #tpu.dot_dimension_numbers<[1], [1], [0], [0], [0, 0, 1, 0], [], []>, transpose_lhs_hint = false} : vector<8x1024xf32>, vector<2048x1024xf32>, vector<8x2048xf32> -> vector<8x2048xf32>
    %iota3A = tpu.iota {dimensions = array<i32: 0>} : vector<8x2048xi32>
    %reduce_max3A = arith.constant dense<0xFF800000> : vector<2048xf32>
    %reduce_max3A_6 = vector.multi_reduction <maximumf>, %dot_general3A_5, %reduce_max3A [0] : vector<8x2048xf32> to vector<2048xf32>
    %broadcast_in_dim3A = vector.shape_cast %reduce_max3A_6 : vector<2048xf32> to vector<1x2048xf32>
    %eq3A = vector.broadcast %broadcast_in_dim3A : vector<1x2048xf32> to vector<8x2048xf32>
    %eq3A_7 = arith.cmpf oeq, %dot_general3A_5, %eq3A : vector<8x2048xf32>
    %jit3A = arith.constant 8 : i32
    %broadcast_in_dim3A_8 = vector.broadcast %jit3A : i32 to vector<8x2048xi32>
    %select_n3A = arith.select %eq3A_7, %iota3A, %broadcast_in_dim3A_8 : vector<8x2048xi1>, vector<8x2048xi32>
    %reduce_min3A = arith.constant dense<2147483647> : vector<2048xi32>
    %reduce_min3A_9 = vector.multi_reduction <minsi>, %select_n3A, %reduce_min3A [0] : vector<8x2048xi32> to vector<2048xi32>
    %broadcast_in_dim3A_10 = vector.shape_cast %reduce_min3A_9 : vector<2048xi32> to vector<1x2048xi32>
    %eq3A_11 = vector.broadcast %broadcast_in_dim3A_10 : vector<1x2048xi32> to vector<8x2048xi32>
    %eq3A_12 = arith.cmpi eq, %iota3A, %eq3A_11 : vector<8x2048xi32>
    %jit3A_13 = arith.constant -1.000000e+30 : f32
    %broadcast_in_dim3A_14 = vector.broadcast %jit3A_13 : f32 to vector<8x2048xf32>
    %select_n3A_15 = arith.select %eq3A_12, %broadcast_in_dim3A_14, %dot_general3A_5 : vector<8x2048xi1>, vector<8x2048xf32>
    %reduce_max3A_16 = arith.constant dense<0xFF800000> : vector<2048xf32>
    %reduce_max3A_17 = vector.multi_reduction <maximumf>, %select_n3A_15, %reduce_max3A_16 [0] : vector<8x2048xf32> to vector<2048xf32>
    %broadcast_in_dim3A_18 = vector.shape_cast %reduce_max3A_17 : vector<2048xf32> to vector<1x2048xf32>
    %eq3A_19 = vector.broadcast %broadcast_in_dim3A_18 : vector<1x2048xf32> to vector<8x2048xf32>
    %eq3A_20 = arith.cmpf oeq, %select_n3A_15, %eq3A_19 : vector<8x2048xf32>
    %jit3A_21 = arith.constant 8 : i32
    %broadcast_in_dim3A_22 = vector.broadcast %jit3A_21 : i32 to vector<8x2048xi32>
    %select_n3A_23 = arith.select %eq3A_20, %iota3A, %broadcast_in_dim3A_22 : vector<8x2048xi1>, vector<8x2048xi32>
    %reduce_min3A_24 = arith.constant dense<2147483647> : vector<2048xi32>
    %reduce_min3A_25 = vector.multi_reduction <minsi>, %select_n3A_23, %reduce_min3A_24 [0] : vector<8x2048xi32> to vector<2048xi32>
    %broadcast_in_dim3A_26 = vector.shape_cast %reduce_min3A_25 : vector<2048xi32> to vector<1x2048xi32>
    %sub3A = arith.subf %broadcast_in_dim3A_18, %broadcast_in_dim3A : vector<1x2048xf32>
    %exp3A = math.exp %sub3A : vector<1x2048xf32>
    %add3A = arith.constant 1.000000e+00 : f32
    %add3A_27 = vector.broadcast %add3A : f32 to vector<1x2048xf32>
    %add3A_28 = arith.addf %add3A_27, %exp3A : vector<1x2048xf32>
    %div3A = arith.constant 1.000000e+00 : f32
    %div3A_29 = vector.broadcast %div3A : f32 to vector<1x2048xf32>
    %div3A_30 = arith.divf %div3A_29, %add3A_28 : vector<1x2048xf32>
    %sub3A_31 = arith.constant 1.000000e+00 : f32
    %sub3A_32 = vector.broadcast %sub3A_31 : f32 to vector<1x2048xf32>
    %sub3A_33 = arith.subf %sub3A_32, %div3A_30 : vector<1x2048xf32>
    %eq3A_34 = vector.broadcast %broadcast_in_dim3A_10 : vector<1x2048xi32> to vector<8x2048xi32>
    %eq3A_35 = arith.cmpi eq, %iota3A, %eq3A_34 : vector<8x2048xi32>
    %jit3A_36 = arith.constant 1.000000e+00 : f32
    %jit3A_37 = arith.constant 0.000000e+00 : f32
    %broadcast_in_dim3A_38 = vector.broadcast %jit3A_36 : f32 to vector<8x2048xf32>
    %broadcast_in_dim3A_39 = vector.broadcast %jit3A_37 : f32 to vector<8x2048xf32>
    %select_n3A_40 = arith.select %eq3A_35, %broadcast_in_dim3A_38, %broadcast_in_dim3A_39 : vector<8x2048xi1>, vector<8x2048xf32>
    %eq3A_41 = vector.broadcast %broadcast_in_dim3A_26 : vector<1x2048xi32> to vector<8x2048xi32>
    %eq3A_42 = arith.cmpi eq, %iota3A, %eq3A_41 : vector<8x2048xi32>
    %jit3A_43 = arith.constant 1.000000e+00 : f32
    %jit3A_44 = arith.constant 0.000000e+00 : f32
    %broadcast_in_dim3A_45 = vector.broadcast %jit3A_43 : f32 to vector<8x2048xf32>
    %broadcast_in_dim3A_46 = vector.broadcast %jit3A_44 : f32 to vector<8x2048xf32>
    %select_n3A_47 = arith.select %eq3A_42, %broadcast_in_dim3A_45, %broadcast_in_dim3A_46 : vector<8x2048xi1>, vector<8x2048xf32>
    %add3A_48 = arith.addf %select_n3A_40, %select_n3A_47 : vector<8x2048xf32>
    %iota3A_49 = tpu.iota {dimensions = array<i32: 0>} : vector<2048x2048xi32>
    %iota3A_50 = tpu.iota {dimensions = array<i32: 1>} : vector<2048x2048xi32>
    %lt3A = arith.cmpi slt, %iota3A_49, %iota3A_50 : vector<2048x2048xi32>
    %jit3A_51 = arith.constant 1.000000e+00 : f32
    %jit3A_52 = arith.constant 0.000000e+00 : f32
    %broadcast_in_dim3A_53 = vector.broadcast %jit3A_51 : f32 to vector<2048x2048xf32>
    %broadcast_in_dim3A_54 = vector.broadcast %jit3A_52 : f32 to vector<2048x2048xf32>
    %select_n3A_55 = arith.select %lt3A, %broadcast_in_dim3A_53, %broadcast_in_dim3A_54 : vector<2048x2048xi1>, vector<2048x2048xf32>
    %dot_general3A_56 = arith.constant dense<0.000000e+00> : vector<8x2048xf32>
    %dot_general3A_57 = tpu.matmul %add3A_48, %select_n3A_55, %dot_general3A_56 {dimension_numbers = #tpu.dot_dimension_numbers<[1], [0], [0], [1], [0, 0, 1, 1], [], []>, transpose_lhs_hint = false} : vector<8x2048xf32>, vector<2048x2048xf32>, vector<8x2048xf32> -> vector<8x2048xf32>
    %reduce_sum3A = arith.constant dense<0.000000e+00> : vector<8xf32>
    %reduce_sum3A_58 = vector.multi_reduction <add>, %add3A_48, %reduce_sum3A [1] : vector<8x2048xf32> to vector<8xf32>
    %broadcast_in_dim3A_59 = vector.shape_cast %reduce_sum3A_58 : vector<8xf32> to vector<8x1xf32>
    %convert_element_type3A = arith.fptosi %broadcast_in_dim3A_59 : vector<8x1xf32> to vector<8x1xi32>
    %add3A_60 = arith.constant 511 : i32
    %add3A_61 = vector.broadcast %add3A_60 : i32 to vector<8x1xi32>
    %add3A_62 = arith.addi %convert_element_type3A, %add3A_61 : vector<8x1xi32>
    %jit3A_63 = arith.constant 512 : i32
    %div3A_64 = vector.broadcast %jit3A_63 : i32 to vector<8x1xi32>
    %div3A_65 = arith.divsi %add3A_62, %div3A_64 : vector<8x1xi32>
    %sign3A = arith.constant 0 : i32
    %sign3A_66 = vector.broadcast %sign3A : i32 to vector<8x1xi32>
    %sign3A_67 = arith.cmpi sgt, %add3A_62, %sign3A_66 : vector<8x1xi32>
    %sign3A_68 = arith.extui %sign3A_67 : vector<8x1xi1> to vector<8x1xi32>
    %sign3A_69 = arith.constant 0 : i32
    %sign3A_70 = vector.broadcast %sign3A_69 : i32 to vector<8x1xi32>
    %sign3A_71 = arith.cmpi slt, %add3A_62, %sign3A_70 : vector<8x1xi32>
    %sign3A_72 = arith.extui %sign3A_71 : vector<8x1xi1> to vector<8x1xi32>
    %sign3A_73 = arith.subi %sign3A_68, %sign3A_72 : vector<8x1xi32>
    %sign3A_74 = arith.constant 0 : i32
    %sign3A_75 = arith.cmpi sgt, %jit3A_63, %sign3A_74 : i32
    %sign3A_76 = arith.extui %sign3A_75 : i1 to i32
    %sign3A_77 = arith.constant 0 : i32
    %sign3A_78 = arith.cmpi slt, %jit3A_63, %sign3A_77 : i32
    %sign3A_79 = arith.extui %sign3A_78 : i1 to i32
    %sign3A_80 = arith.subi %sign3A_76, %sign3A_79 : i32
    %ne3A = vector.broadcast %sign3A_80 : i32 to vector<8x1xi32>
    %ne3A_81 = arith.cmpi ne, %sign3A_73, %ne3A : vector<8x1xi32>
    %rem3A = vector.broadcast %jit3A_63 : i32 to vector<8x1xi32>
    %rem3A_82 = arith.remsi %add3A_62, %rem3A : vector<8x1xi32>
    %ne3A_83 = arith.constant 0 : i32
    %ne3A_84 = vector.broadcast %ne3A_83 : i32 to vector<8x1xi32>
    %ne3A_85 = arith.cmpi ne, %rem3A_82, %ne3A_84 : vector<8x1xi32>
    %and3A = arith.andi %ne3A_81, %ne3A_85 : vector<8x1xi1>
    %sub3A_86 = arith.constant 1 : i32
    %sub3A_87 = vector.broadcast %sub3A_86 : i32 to vector<8x1xi32>
    %sub3A_88 = arith.subi %div3A_65, %sub3A_87 : vector<8x1xi32>
    %select_n3A_89 = arith.select %and3A, %sub3A_88, %div3A_65 : vector<8x1xi1>, vector<8x1xi32>
    %mul3A = arith.constant 512 : i32
    %mul3A_90 = vector.broadcast %mul3A : i32 to vector<8x1xi32>
    %mul3A_91 = arith.muli %select_n3A_89, %mul3A_90 : vector<8x1xi32>
    %iota3A_92 = tpu.iota {dimensions = array<i32: 0>} : vector<8x8xi32>
    %iota3A_93 = tpu.iota {dimensions = array<i32: 1>} : vector<8x8xi32>
    %lt3A_94 = arith.cmpi slt, %iota3A_93, %iota3A_92 : vector<8x8xi32>
    %jit3A_95 = arith.constant 1.000000e+00 : f32
    %jit3A_96 = arith.constant 0.000000e+00 : f32
    %broadcast_in_dim3A_97 = vector.broadcast %jit3A_95 : f32 to vector<8x8xf32>
    %broadcast_in_dim3A_98 = vector.broadcast %jit3A_96 : f32 to vector<8x8xf32>
    %select_n3A_99 = arith.select %lt3A_94, %broadcast_in_dim3A_97, %broadcast_in_dim3A_98 : vector<8x8xi1>, vector<8x8xf32>
    %convert_element_type3A_100 = arith.sitofp %mul3A_91 : vector<8x1xi32> to vector<8x1xf32>
    %dot_general3A_101 = arith.constant dense<0.000000e+00> : vector<8x1xf32>
    %dot_general3A_102 = tpu.matmul %select_n3A_99, %convert_element_type3A_100, %dot_general3A_101 {dimension_numbers = #tpu.dot_dimension_numbers<[1], [0], [0], [1], [0, 0, 1, 1], [], []>, transpose_lhs_hint = false} : vector<8x8xf32>, vector<8x1xf32>, vector<8x1xf32> -> vector<8x1xf32>
    %add3A_103 = vector.broadcast %dot_general3A_102 : vector<8x1xf32> to vector<8x2048xf32>
    %add3A_104 = arith.addf %dot_general3A_57, %add3A_103 : vector<8x2048xf32>
    %eq3A_105 = vector.broadcast %broadcast_in_dim3A_10 : vector<1x2048xi32> to vector<8x2048xi32>
    %eq3A_106 = arith.cmpi eq, %iota3A, %eq3A_105 : vector<8x2048xi32>
    %jit3A_107 = arith.constant 0.000000e+00 : f32
    %broadcast_in_dim3A_108 = vector.broadcast %jit3A_107 : f32 to vector<8x2048xf32>
    %select_n3A_109 = arith.select %eq3A_106, %add3A_104, %broadcast_in_dim3A_108 : vector<8x2048xi1>, vector<8x2048xf32>
    %reduce_sum3A_110 = arith.constant dense<0.000000e+00> : vector<2048xf32>
    %reduce_sum3A_111 = vector.multi_reduction <add>, %select_n3A_109, %reduce_sum3A_110 [0] : vector<8x2048xf32> to vector<2048xf32>
    %broadcast_in_dim3A_112 = vector.shape_cast %reduce_sum3A_111 : vector<2048xf32> to vector<1x2048xf32>
    %eq3A_113 = vector.broadcast %broadcast_in_dim3A_26 : vector<1x2048xi32> to vector<8x2048xi32>
    %eq3A_114 = arith.cmpi eq, %iota3A, %eq3A_113 : vector<8x2048xi32>
    %jit3A_115 = arith.constant 0.000000e+00 : f32
    %broadcast_in_dim3A_116 = vector.broadcast %jit3A_115 : f32 to vector<8x2048xf32>
    %select_n3A_117 = arith.select %eq3A_114, %add3A_104, %broadcast_in_dim3A_116 : vector<8x2048xi1>, vector<8x2048xf32>
    %reduce_sum3A_118 = arith.constant dense<0.000000e+00> : vector<2048xf32>
    %reduce_sum3A_119 = vector.multi_reduction <add>, %select_n3A_117, %reduce_sum3A_118 [0] : vector<8x2048xf32> to vector<2048xf32>
    %broadcast_in_dim3A_120 = vector.shape_cast %reduce_sum3A_119 : vector<2048xf32> to vector<1x2048xf32>
    %convert_element_type3A_121 = arith.fptosi %broadcast_in_dim3A_112 : vector<1x2048xf32> to vector<1x2048xi32>
    %swap3A = arith.constant 0 : index
    %swap3A_122 = arith.constant 0 : index
    %swap3A_123 = vector.load %arg3[%swap3A, %swap3A_122] : memref<2x2048xi32, #tpu.memory_space<vmem>>, vector<1x2048xi32>
    tpu.vector_store %arg3[%swap3A, %swap3A_122], %convert_element_type3A_121 {strides = array<i32>} : memref<2x2048xi32, #tpu.memory_space<vmem>>, vector<1x2048xi32>,
    %convert_element_type3A_124 = arith.fptosi %broadcast_in_dim3A_120 : vector<1x2048xf32> to vector<1x2048xi32>
    %swap3A_125 = arith.constant 1 : index
    %swap3A_126 = arith.constant 0 : index
    %swap3A_127 = vector.load %arg3[%swap3A_125, %swap3A_126] : memref<2x2048xi32, #tpu.memory_space<vmem>>, vector<1x2048xi32>
    tpu.vector_store %arg3[%swap3A_125, %swap3A_126], %convert_element_type3A_124 {strides = array<i32>} : memref<2x2048xi32, #tpu.memory_space<vmem>>, vector<1x2048xi32>,
    %eq3A_128 = arith.cmpi eq, %iota3A_49, %iota3A_50 : vector<2048x2048xi32>
    %jit3A_129 = arith.constant 1.000000e+00 : f32
    %jit3A_130 = arith.constant 0.000000e+00 : f32
    %broadcast_in_dim3A_131 = vector.broadcast %jit3A_129 : f32 to vector<2048x2048xf32>
    %broadcast_in_dim3A_132 = vector.broadcast %jit3A_130 : f32 to vector<2048x2048xf32>
    %select_n3A_133 = arith.select %eq3A_128, %broadcast_in_dim3A_131, %broadcast_in_dim3A_132 : vector<2048x2048xi1>, vector<2048x2048xf32>
    %concatenate3A = tpu.concatenate %div3A_30, %sub3A_33 in 0 : vector<1x2048xf32>, vector<1x2048xf32> -> vector<2x2048xf32>
    %dot_general3A_134 = arith.constant dense<0.000000e+00> : vector<2048x2xf32>
    %dot_general3A_135 = tpu.matmul %select_n3A_133, %concatenate3A, %dot_general3A_134 {dimension_numbers = #tpu.dot_dimension_numbers<[1], [1], [0], [0], [0, 0, 1, 0], [], []>, transpose_lhs_hint = false} : vector<2048x2048xf32>, vector<2x2048xf32>, vector<2048x2xf32> -> vector<2048x2xf32>
    %slice3A = vector.extract_strided_slice %dot_general3A_135 {offsets = [0, 0], sizes = [2048, 1], strides = [1, 1]} : vector<2048x2xf32> to vector<2048x1xf32>
    %broadcast_in_dim3A_136 = vector.shape_cast %slice3A : vector<2048x1xf32> to vector<2048x1xf32>
    %broadcast_in_dim3A_137 = vector.broadcast %broadcast_in_dim3A_136 : vector<2048x1xf32> to vector<2048x16xf32>
    %swap3A_138 = arith.constant 0 : index
    %swap3A_139 = arith.constant 0 : index
    %swap3A_140 = vector.load %arg4[%swap3A_138, %swap3A_139] : memref<2048x16xf32, #tpu.memory_space<vmem>>, vector<2048x16xf32>
    tpu.vector_store %arg4[%swap3A_138, %swap3A_139], %broadcast_in_dim3A_137 {strides = array<i32>} : memref<2048x16xf32, #tpu.memory_space<vmem>>, vector<2048x16xf32>,
    %slice3A_141 = vector.extract_strided_slice %dot_general3A_135 {offsets = [0, 1], sizes = [2048, 1], strides = [1, 1]} : vector<2048x2xf32> to vector<2048x1xf32>
    %broadcast_in_dim3A_142 = vector.shape_cast %slice3A_141 : vector<2048x1xf32> to vector<2048x1xf32>
    %broadcast_in_dim3A_143 = vector.broadcast %broadcast_in_dim3A_142 : vector<2048x1xf32> to vector<2048x16xf32>
    %swap3A_144 = arith.constant 0 : index
    %swap3A_145 = arith.constant 0 : index
    %swap3A_146 = vector.load %arg5[%swap3A_144, %swap3A_145] : memref<2048x16xf32, #tpu.memory_space<vmem>>, vector<2048x16xf32>
    tpu.vector_store %arg5[%swap3A_144, %swap3A_145], %broadcast_in_dim3A_143 {strides = array<i32>} : memref<2048x16xf32, #tpu.memory_space<vmem>>, vector<2048x16xf32>,
    %iota3A_147 = tpu.iota {dimensions = array<i32: 1>} : vector<8x16xi32>
    %mul3A_148 = arith.constant 512 : i32
    %mul3A_149 = vector.broadcast %mul3A_148 : i32 to vector<8x16xi32>
    %mul3A_150 = arith.muli %iota3A_147, %mul3A_149 : vector<8x16xi32>
    %convert_element_type3A_151 = arith.fptosi %dot_general3A_102 : vector<8x1xf32> to vector<8x1xi32>
    %ge3A = vector.broadcast %convert_element_type3A_151 : vector<8x1xi32> to vector<8x16xi32>
    %ge3A_152 = arith.cmpi sge, %mul3A_150, %ge3A : vector<8x16xi32>
    %jit3A_153 = arith.constant 1 : i32
    %jit3A_154 = arith.constant 0 : i32
    %broadcast_in_dim3A_155 = vector.broadcast %jit3A_153 : i32 to vector<8x16xi32>
    %broadcast_in_dim3A_156 = vector.broadcast %jit3A_154 : i32 to vector<8x16xi32>
    %select_n3A_157 = arith.select %ge3A_152, %broadcast_in_dim3A_155, %broadcast_in_dim3A_156 : vector<8x16xi1>, vector<8x16xi32>
    %reduce_sum3A_158 = arith.constant dense<0> : vector<16xi32>
    %reduce_sum3A_159 = vector.multi_reduction <add>, %select_n3A_157, %reduce_sum3A_158 [0] : vector<8x16xi32> to vector<16xi32>
    %broadcast_in_dim3A_160 = vector.shape_cast %reduce_sum3A_159 : vector<16xi32> to vector<1x16xi32>
    %sub3A_161 = arith.constant 1 : i32
    %sub3A_162 = vector.broadcast %sub3A_161 : i32 to vector<1x16xi32>
    %sub3A_163 = arith.subi %broadcast_in_dim3A_160, %sub3A_162 : vector<1x16xi32>
    %swap3A_164 = arith.constant 0 : index
    %swap3A_165 = arith.constant 0 : index
    %swap3A_166 = vector.load %arg6[%swap3A_164, %swap3A_165] : memref<1x16xi32, #tpu.memory_space<vmem>>, vector<1x16xi32>
    tpu.vector_store %arg6[%swap3A_164, %swap3A_165], %sub3A_163 {strides = array<i32>} : memref<1x16xi32, #tpu.memory_space<vmem>>, vector<1x16xi32>,
    return
  }
  func.func @transform_0(%arg0: i32) -> (i32, i32) {
    %c0_i32 = arith.constant 0 : i32
    %c0_i32_0 = arith.constant 0 : i32
    %c0_i32_1 = arith.constant 0 : i32
    return %c0_i32, %c0_i32_0 : i32, i32
  }
  func.func @transform_1(%arg0: i32) -> (i32, i32) {
    %c0_i32 = arith.constant 0 : i32
    %c0_i32_0 = arith.constant 0 : i32
    %c0_i32_1 = arith.constant 0 : i32
    return %c0_i32, %c0_i32_0 : i32, i32
  }
  func.func @transform_2(%arg0: i32) -> (i32, i32) {
    %c0_i32 = arith.constant 0 : i32
    %c0_i32_0 = arith.constant 0 : i32
    %c0_i32_1 = arith.constant 0 : i32
    return %c0_i32, %c0_i32_0 : i32, i32
  }
  func.func @transform_3(%arg0: i32) -> (i32, i32) {
    %c0_i32 = arith.constant 0 : i32
    %c0_i32_0 = arith.constant 0 : i32
    %c0_i32_1 = arith.constant 0 : i32
    return %c0_i32, %c0_i32_0 : i32, i32
  }
  func.func @transform_4(%arg0: i32) -> (i32, i32) {
    %c0_i32 = arith.constant 0 : i32
    %c0_i32_0 = arith.constant 0 : i32
    %c0_i32_1 = arith.constant 0 : i32
    return %c0_i32, %c0_i32_0 : i32, i32
  }
  func.func @transform_5(%arg0: i32) -> (i32, i32) {
    %c0_i32 = arith.constant 0 : i32
    %c0_i32_0 = arith.constant 0 : i32
    %c0_i32_1 = arith.constant 0 : i32
    return %c0_i32, %c0_i32_0 : i32, i32
  }
}

module attributes {stable_mosaic.version = 14 : i64} {
  func.func @_expert_body(%arg0: i32, %arg1: memref<16xi32, #tpu.memory_space<smem>>, %arg2: memref<512x1024xf32, #tpu.memory_space<vmem>>, %arg3: memref<1x1024x1024xf32, #tpu.memory_space<vmem>>, %arg4: memref<1x1x1024xf32, #tpu.memory_space<vmem>>, %arg5: memref<512x1024xf32, #tpu.memory_space<vmem>>) attributes {dimension_semantics = [#tpu.dimension_semantics<arbitrary>], iteration_bounds = array<i64: 16>, scalar_prefetch = 1 : i64, scratch_operands = 0 : i64, tpu.core_type = #tpu.core_type<tc>, window_params = [{transform_indices = @transform_0, window_bounds = array<i64: 512, 1024>}, {transform_indices = @transform_1, window_bounds = array<i64: 1, 1024, 1024>}, {transform_indices = @transform_2, window_bounds = array<i64: 1, 1, 1024>}, {transform_indices = @transform_3, window_bounds = array<i64: 512, 1024>}]} {
    %get3A = arith.constant 0 : index
    %get3A_0 = arith.constant 0 : index
    %get3A_1 = vector.load %arg2[%get3A, %get3A_0] : memref<512x1024xf32, #tpu.memory_space<vmem>>, vector<512x1024xf32>
    %convert_element_type3A = arith.truncf %get3A_1 : vector<512x1024xf32> to vector<512x1024xbf16>
    %get3A_2 = arith.constant 0 : index
    %get3A_3 = arith.constant 0 : index
    %get3A_4 = arith.constant 0 : index
    %get3A_5 = vector.load %arg3[%get3A_2, %get3A_3, %get3A_4] : memref<1x1024x1024xf32, #tpu.memory_space<vmem>>, vector<1x1024x1024xf32>
    %get3A_6 = vector.shape_cast %get3A_5 : vector<1x1024x1024xf32> to vector<1024x1024xf32>
    %convert_element_type3A_7 = arith.truncf %get3A_6 : vector<1024x1024xf32> to vector<1024x1024xbf16>
    %dot_general3A = arith.constant dense<0.000000e+00> : vector<512x1024xf32>
    %dot_general3A_8 = tpu.matmul %convert_element_type3A, %convert_element_type3A_7, %dot_general3A {dimension_numbers = #tpu.dot_dimension_numbers<[1], [1], [0], [0], [0, 0, 1, 0], [], []>, transpose_lhs_hint = false} : vector<512x1024xbf16>, vector<1024x1024xbf16>, vector<512x1024xf32> -> vector<512x1024xf32>
    %get3A_9 = arith.constant 0 : index
    %get3A_10 = arith.constant 0 : index
    %get3A_11 = arith.constant 0 : index
    %get3A_12 = vector.load %arg4[%get3A_9, %get3A_10, %get3A_11] : memref<1x1x1024xf32, #tpu.memory_space<vmem>>, vector<1x1x1024xf32>
    %get3A_13 = vector.shape_cast %get3A_12 : vector<1x1x1024xf32> to vector<1x1024xf32>
    %add3A = vector.broadcast %get3A_13 : vector<1x1024xf32> to vector<512x1024xf32>
    %add3A_14 = arith.addf %dot_general3A_8, %add3A : vector<512x1024xf32>
    %swap3A = arith.constant 0 : index
    %swap3A_15 = arith.constant 0 : index
    %swap3A_16 = vector.load %arg5[%swap3A, %swap3A_15] : memref<512x1024xf32, #tpu.memory_space<vmem>>, vector<512x1024xf32>
    tpu.vector_store %arg5[%swap3A, %swap3A_15], %add3A_14 {strides = array<i32>} : memref<512x1024xf32, #tpu.memory_space<vmem>>, vector<512x1024xf32>,
    return
  }
  func.func @transform_0(%arg0: i32, %arg1: memref<16xi32, #tpu.memory_space<smem>>) -> (i32, i32) {
    %c0_i32 = arith.constant 0 : i32
    %c0_i32_0 = arith.constant 0 : i32
    return %arg0, %c0_i32 : i32, i32
  }
  func.func @transform_1(%arg0: i32, %arg1: memref<16xi32, #tpu.memory_space<smem>>) -> (i32, i32, i32) {
    %get3A = arith.index_cast %arg0 : i32 to index
    %get3A_0 = memref.load %arg1[%get3A] : memref<16xi32, #tpu.memory_space<smem>>
    %c0_i32 = arith.constant 0 : i32
    %c0_i32_1 = arith.constant 0 : i32
    %c0_i32_2 = arith.constant 0 : i32
    return %get3A_0, %c0_i32, %c0_i32_1 : i32, i32, i32
  }
  func.func @transform_2(%arg0: i32, %arg1: memref<16xi32, #tpu.memory_space<smem>>) -> (i32, i32, i32) {
    %get3A = arith.index_cast %arg0 : i32 to index
    %get3A_0 = memref.load %arg1[%get3A] : memref<16xi32, #tpu.memory_space<smem>>
    %c0_i32 = arith.constant 0 : i32
    %c0_i32_1 = arith.constant 0 : i32
    %c0_i32_2 = arith.constant 0 : i32
    return %get3A_0, %c0_i32, %c0_i32_1 : i32, i32, i32
  }
  func.func @transform_3(%arg0: i32, %arg1: memref<16xi32, #tpu.memory_space<smem>>) -> (i32, i32) {
    %c0_i32 = arith.constant 0 : i32
    %c0_i32_0 = arith.constant 0 : i32
    return %arg0, %c0_i32 : i32, i32
  }
}

</mosaic_0001>

<sc_bundles>
// kernel: kernel.6.cloned.1.call-start
scs
__scs_entry_jumppad:
0x0: {  	(pc) =	sbr.rel $0x88, $3  }
0x1: {  	(tag) =	ssettag $0x0;
	lr =	simm.s32 $0x1  }
0x2: {  	[smem:$0x3F9D] =	sst lr;
	_ =	strace $0xD0000000  }
0x3: {  	_ = 	snop  }
0x4: {  	_ = 	snop  }
0x5: {  	_ = 	snop  }
0x6: {  	_ = 	snop  }
0x7: {  	_ = 	snop  }
__scs_overlays_trampoline_lowered:
0x8: {  	[smem:$0x3FAC] =	sst s0  }
0x9: {  	[smem:$0x3FAD] =	sst s1  }
0xa: {  	[smem:$0x3FAE] =	sst s2  }
0xb: {  	[smem:$0x3FAF] =	sst s3  }
0xc: {  	[smem:$0x3FB0] =	sst s4  }
0xd: {  	[smem:$0x3FB1] =	sst s5  }
0xe: {  	[smem:$0x3FB2] =	sst s6  }
0xf: {  	[smem:$0x3FB3] =	sst s7  }
0x10: {  	[smem:$0x3FB4] =	sst s8  }
0x11: {  	[smem:$0x3FB5] =	sst s9;
	s0 =	simm.s32 @!p0 $0x0  }
0x12: {  	s1 =	sld [smem:$0x3F9B];
	s0 =	simm.s32 @p0 $0x1  }
0x13: {  	[smem:$0x3FB6] =	sst s0;
	s0 =	simm.s32 @!p1 $0x0  }
0x14: {  	s2 =	sld [smem:$0x3F9A];
	s0 =	simm.s32 @p1 $0x1  }
0x15: {  	[smem:$0x3FB7] =	sst s0;
	s0 =	simm.s32 @!p2 $0x0  }
0x16: {  	s3 =	sld [smem:$0x3FDB];
	s0 =	simm.s32 @p2 $0x1  }
0x17: {  	s4 =	simm.s32 $0x1BF5;
	[smem:$0x3FB9] =	sst s0  }
0x18: {  	s0 =	sld [smem:$0x3F9C];
	_ =	swait.ge [sflag:s4], $0x0  }
0x19: {  	s7 =	sld [smem:$0x3F9D]  }
0x1a: {  	s8 =	sadd.s32 $0xFFFFE003, lr  }
0x1b: {  	s9 =	sadd.s32 $0xFFFFFEF7, lr;
	s5 =	simm.s32 $0xFFFFFFFF;
	p2 =	slt.u32 s8, $0xFFFFF086  }
0x1c: {  	p1 =	slt.u32 s9, $0xF7A;
	s5 =	simm.s32 @!p2 $0x0  }
0x1d: {  	s5 =	simm.s32 @p1 $0x1;
	p0 =	seq.s32 s7, s2  }
0x1e: {  	s7 =	smul.u32 @!p0 $0xF7A, s2;
	p2 =	seq.s32 @!p0 s5, $0x0  }
0x1f: {  	s9 =	smul.u32 $0xF7A, s1;
	s8 =	simm.s32 @!p0 $0x1BF5;
	p2 =	por !p2, p0  }
0x20: {  	[sflag:s8] =	ssyncset.s32 @!p0 $0xFFFFF086;
	s6 =	sadd.s32 @!p0 s3, s7;
	s7 =	simm.s32 @!p0 $0x108  }
0x21: {  	s3 =	sadd.s32 s3, s9;
	s6 =	sadd.s32 @!p0 $0x88, s6;
	s7 =	simm.s32 @p2 $0x1082  }
0x22: {  	[simem:s7], [sflag:s8] =	dma.local @!p0 [hbm:s6], $0xF7A  }
0x23: {  	s9 =	sor.u32 $0xD0000000, s2;
	s6 =	simm.s32 $0x108;
	_ =	swait.ge @!p0 [sflag:s8], $0x0  }
0x24: {  	s3 =	sadd.s32 $0x88, s3;
	s6 =	simm.s32 @!p1 $0x1082;
	[sflag:s4] =	ssyncset.s32 $0xFFFFF086  }
0x25: {  	[simem:s6], [sflag:s4] =	dma.local [hbm:s3], $0xF7A  }
0x26: {  	[smem:$0x3F9D] =	sst s1;
	(tag) =	ssettag s2;
	_ =	strace s9  }
0x27: {  	s1 =	sld [smem:$0x3FAD]  }
0x28: {  	s2 =	sld [smem:$0x3FAE]  }
0x29: {  	s4 =	sld [smem:$0x3FB0]  }
0x2a: {  	p0 =	seq.s32 s5, $0x0;
	s5 =	sld [smem:$0x3FB1]  }
0x2b: {  	s6 =	sld [smem:$0x3FB2]  }
0x2c: {  	s7 =	sld [smem:$0x3FB3]  }
0x2d: {  	s3 =	simm.s32 $0x108;
	s8 =	sld [smem:$0x3FB4]  }
0x2e: {  	s3 =	simm.s32 @!p0 $0x1082;
	s9 =	sld [smem:$0x3FB5]  }
0x2f: {  	lr =	sadd.s32 s0, s3;
	s0 =	sld [smem:$0x3FAC]  }
0x30: {  	s3 =	sld [smem:$0x3FAF]  }
0x31: {  	[smem:$0x3FB8] =	sst s10  }
0x32: {  	s10 =	sld [smem:$0x3FB6];
	_ =	sdelay $0x3  }
0x33: {  	p0 =	seq.s32 s10, $0x1;
	s10 =	sld [smem:$0x3FB8];
	_ =	sdelay $0x3  }
0x34: {  	[smem:$0x3FB8] =	sst s10  }
0x35: {  	s10 =	sld [smem:$0x3FB7];
	_ =	sdelay $0x3  }
0x36: {  	p1 =	seq.s32 s10, $0x1;
	s10 =	sld [smem:$0x3FB8];
	_ =	sdelay $0x3  }
0x37: {  	[smem:$0x3FB8] =	sst s10  }
0x38: {  	s10 =	sld [smem:$0x3FB9]  }
0x39: {  	_ = 	snop;
	(pc) =	sbr.ind lr, $3  }
0x3a: {  	_ = 	snop  }
0x3b: {  	_ = 	snop  }
0x3c: {  	p2 =	seq.s32 s10, $0x1;
	s10 =	sld [smem:$0x3FB8]  }
0x3d: {  	_ =	shalt  }
0x3e: {  	_ =	shalt  }
0x3f: {  	_ =	shalt  }
0x40: {  	_ =	shalt  }
0x41: {  	_ =	shalt  }
0x42: {  	_ =	shalt  }
0x43: {  	_ =	shalt  }
0x44: {  	_ =	shalt  }
0x45: {  	_ =	shalt  }
0x46: {  	_ =	shalt  }
0x47: {  	_ =	shalt  }
0x48: {  	_ =	shalt  }
0x49: {  	_ =	shalt  }
0x4a: {  	_ =	shalt  }
0x4b: {  	_ =	shalt  }
0x4c: {  	_ =	shalt  }
0x4d: {  	_ =	shalt  }
0x4e: {  	_ =	shalt  }
0x4f: {  	_ =	shalt  }
0x50: {  	_ =	shalt  }
0x51: {  	_ =	shalt  }
0x52: {  	_ =	shalt  }
0x53: {  	_ =	shalt  }
0x54: {  	_ =	shalt  }
0x55: {  	_ =	shalt  }
0x56: {  	_ =	shalt  }
0x57: {  	_ =	shalt  }
0x58: {  	_ =	shalt  }
0x59: {  	_ =	shalt  }
0x5a: {  	_ =	shalt  }
0x5b: {  	_ =	shalt  }
0x5c: {  	_ =	shalt  }
0x5d: {  	_ =	shalt  }
0x5e: {  	_ =	shalt  }
0x5f: {  	_ =	shalt  }
0x60: {  	_ =	shalt  }
0x61: {  	_ =	shalt  }
0x62: {  	_ =	shalt  }
0x63: {  	_ =	shalt  }
0x64: {  	_ =	shalt  }
0x65: {  	_ =	shalt  }
0x66: {  	_ =	shalt  }
0x67: {  	_ =	shalt  }
0x68: {  	_ =	shalt  }
0x69: {  	_ =	shalt  }
0x6a: {  	_ =	shalt  }
0x6b: {  	_ =	shalt  }
0x6c: {  	_ =	shalt  }
0x6d: {  	_ =	shalt  }
0x6e: {  	_ =	shalt  }
0x6f: {  	_ =	shalt  }
0x70: {  	_ =	shalt  }
0x71: {  	_ =	shalt  }
0x72: {  	_ =	shalt  }
0x73: {  	_ =	shalt  }
0x74: {  	_ =	shalt  }
0x75: {  	_ =	shalt  }
0x76: {  	_ =	shalt  }
0x77: {  	_ =	shalt  }
0x78: {  	_ =	shalt  }
0x79: {  	_ =	shalt  }
0x7a: {  	_ =	shalt  }
0x7b: {  	_ =	shalt  }
0x7c: {  	_ =	shalt  }
0x7d: {  	_ =	shalt  }
0x7e: {  	_ =	shalt  }
0x7f: {  	_ =	shalt  }
0x80: {  	_ =	shalt  }
0x81: {  	_ =	shalt  }
0x82: {  	_ =	shalt  }
0x83: {  	_ =	shalt  }
0x84: {  	_ =	shalt  }
0x85: {  	_ =	shalt  }
0x86: {  	_ =	shalt  }
0x87: {  	_ =	shalt  }
.Lfunc_end0:
.L_simem_size_0:
called_computation_lowered:
.L_overlay_start_0:
0x88: {  	s2 =	sld [smem:$0x3FD9]  }
0x89: {  	s3 =	sld [smem:$0x3FFE];
	_ =	sdelay $0x1  }
0x8a: {  	s1 =	srdreg.scid  }
0x8b: {  	s0 =	sand.u32 $0x1, s1  }
0x8c: {  	s17 =	sshll.u32 s0, $0xA;
	s2 =	sadd.s32 s3, s2  }
0x8d: {  	s2 =	sadd.s32 s2, s17  }
0x8e: {  	[smem:$0x3FC4] =	sst s2  }
0x8f: {  	_ = 	snop  }
0x90: {  	s2 =	sld [smem:$0x3FC9];
	(tm) =	ssettm $0x1  }
0x91: {  	s18 =	sld [smem:$0x3FFB];
	_ =	sdelay $0x3  }
0x92: {  	_ =	strace s18  }
0x93: {  	s3 =	sld [smem:$0x3FFC];
	_ =	sdelay $0x3  }
0x94: {  	_ =	strace s3  }
0x95: {  	s3 =	sld [smem:$0x3FFD];
	_ =	sdelay $0x3  }
0x96: {  	_ =	strace s3  }
0x97: {  	_ =	strace $0x8FFFFFFF  }
0x98: {  	s19 =	sld [smem:$0x3FDB];
	_ =	sdelay $0x1  }
0x99: {  	s4 =	simm.s32 $_scs_section_size  }
0x9a: {  	s5 =	simm.s32 $_size__tile_overlayer_lowered;
	s6 =	simm.s32 $_tile_overlayer_lowered  }
0x9b: {  	s22 =	simm.s32 $0x1BFF;
	s21 =	sshll.u32 s6, $0x1;
	s3 =	sadd.s32 s4, s19  }
0x9c: {  	s7 =	simm.s32 $0x0;
	s20 =	sshll.u32 s5, $0x1;
	s5 =	sadd.s32 s21, s3  }
0x9d: {  	[timem:s7], [sflag:s22] =	dma.local [hbm:s5], s20  }
0x9e: {  	_ =	swait.ge [sflag:s22], s20  }
0x9f: {  	s4 =	ssub.s32 $0x0, s20;
	[sflag:s22] =	ssyncset.done $0x0  }
0xa0: {  	[sflag:s22] =	ssyncadd.s32 s4;
	_ =	sdelay $0x1  }
0xa1: {  	s23 =	simm.s32 $0x1B8B  }
0xa2: {  	_ =	swait.ge [sflag:s23], $0x1  }
0xa3: {  	[sflag:s23] =	ssyncset.done $0x0  }
0xa4: {  	s25 =	simm.s32 $0x1B8E;
	s24 =	sld [smem:$0x3FFE];
	[sflag:s23] =	ssyncadd.s32 $0xFFFFFFFF  }
0xa5: {  	s26 =	simm.s32 $execute0_lowered;
	[smem:$0x3FD2] =	sst s25  }
0xa6: {  	s5 =	sshll.u32 s26, $0x1;
	_ =	strace $0x80000046;
	[dreg:$0x1] =	wrdreg $0xFFFFFFFF  }
0xa7: {  	s28 =	simm.s32 $_size_execute0_lowered;
	s3 =	sadd.s32 s3, s5;
	[dreg:$0x0] =	wrdreg $0x0  }
0xa8: {  	s5 =	sshll.u32 s28, $0x1;
	[dreg:$0x2] =	wrdreg s3  }
0xa9: {  	[dreg:$0x3] =	wrdreg s5  }
0xaa: {  	[dreg:$0x4] =	wrdreg $0xC0  }
0xab: {  	_ =	task [dreg:s7], $0x5FFFF  }
0xac: {  	[dreg:$0x1] =	wrdreg $0xFFFFFFFF  }
0xad: {  	[dreg:$0x0] =	wrdreg $0x60  }
0xae: {  	[dreg:$0x2] =	wrdreg s2  }
0xaf: {  	[dreg:$0x3] =	wrdreg s24  }
0xb0: {  	[dreg:$0x4] =	wrdreg $0x9  }
0xb1: {  	_ =	task.clear_ibuf [dreg:s7], $0x5FFFF;
	_ =	strace $0x90000046  }
0xb2: {  	s29 =	simm.s32 $0x9;
	_ =	strace $0x80000048  }
0xb3: {  	_ =	swait.ge [sflag:s29], $0x1  }
0xb4: {  	[sflag:s29] =	ssyncadd.s32 $0xFFFFFFFF  }
0xb5: {  	_ =	strace $0x90000048  }
0xb6: {  	_ =	sfence  }
0xb7: {  	s30 =	sld [smem:$0x0];
	_ =	sdelay $0x2  }
0xb8: {  	s31 =	sshll.u32 s1, $0xD;
	s1 =	sshrl.u32 s1, $0x2  }
0xb9: {  	s3 =	sand.u32 $0x4000, s31;
	s1 =	sadd.s32 s1, s30  }
0xba: {  	s0 =	sor.u32 s3, s0;
	s1 =	sshll.u32 s1, $0x11  }
0xbb: {  	s0 =	sor.u32 s1, s0  }
0xbc: {  	s0 =	sadd.s32 $0x8F2B, s0  }
0xbd: {  	[sflag:s0] =	ssyncadd.remote.s32 $0x1  }
0xbe: {  	_ =	sfence.sel $0xFFFF  }
0xbf: {  	[dreg:$0x0] =	wrdreg $0xFFFFFFFF;
	(pc) =	sbr.abs _section_cstart, $3  }
0xc0: {  	[dreg:$0x1] =	wrdreg $0xFFFFFFFF  }
0xc1: {  	_ =	task.clear_ibuf [dreg:s7], $0x2FFFF;
	_ =	strace $0x9FFFFFFF  }
0xc2: {  	(tm) =	ssettm $0x7FFFFFFF  }
0xc3: {  	_ =	shalt  }
tec
execute0_lowered:
.L_overlay_start_1:
0x0: {  	(tag) =	ssettag $0x1  }
0x1: {  	s0 =	srdreg.scid  }
0x2: {  	s1 =	rddreg [dreg:$0x0];
	s2 =	stileid.u32  }
0x3: {  	s6 =	rddreg [dreg:$0x1];
	s26 =	simm.s32 $0x80;
	s18 =	simm.s32 $0x100  }
0x4: {  	s22 =	simm.s32 $0x1900;
	s23 =	simm.s32 $0x2100;
	s28 =	simm.s32 $0x4100  }
0x5: {  	s29 =	simm.s32 $0x4900;
	s30 =	simm.s32 $0x5100;
	s31 =	simm.s32 $0x5900  }
0x6: {  	s10 =	simm.s32 $0x7100;
	s11 =	simm.s32 $0x7900;
	s12 =	simm.s32 $0x8100  }
0x7: {  	s13 =	simm.s32 $0x8900;
	s14 =	simm.s32 $0x9100;
	s15 =	simm.s32 $0x9900  }
0x8: {  	s16 =	simm.s32 $0xA100;
	s17 =	simm.s32 $0xA900;
	s19 =	simm.s32 $0xB900  }
0x9: {  	s0 =	sand.u32 $0x1, s0;
	s3 =	sshll.u32 s2, $0x7;
	s2 =	simm.s32 $0x0  }
0xa: {  	s8 =	sadd.s32 $0x1600, s6;
	s4 =	sshll.u32 s0, $0x6;
	[smem:$0x7FF] =	sst s2  }
0xb: {  	s0 =	ssub.s32 $0x2, s0;
	s5 =	sor.u32 s4, s3;
	_ =	strace $0x80000047  }
0xc: {  	s3 =	sadd.s32 $0x11800, s6;
	s25 =	sshrl.u32 s0, $0x1;
	[dreg:$0x6] =	wrdreg s26  }
0xd: {  	s26 =	simm.s32 $0x3900;
	s7 =	sshll.u32 s5, $0x1;
	s5 =	sshll.u32 s5, $0x7  }
0xe: {  	s0 =	ssub.s32 s0, s25;
	s25 =	simm.s32 $0x3100;
	s9 =	sand.u32 $0xF00, s7  }
0xf: {  	s1 =	sadd.s32 s1, s5;
	s5 =	sadd.s32 $0x11A00, s6;
	s9 =	sor.u32 s4, s9  }
0x10: {  	s4 =	sor.u32 s4, s7;
	[dreg:$0x5] =	wrdreg s1;
	s24 =	sshrl.u32 s9, $0x3  }
0x11: {  	s4 =	sshrl.u32 s4, $0x3;
	s9 =	simm.s32 $0xB100;
	s7 =	sadd.s32 s8, s24  }
0x12: {  	v2 =	vlaneseq.u32;
	s4 =	sor.u32 $0x10, s4;
	s24 =	simm.s32 $0x2900;
	[dreg:$0x3] =	wrdreg s7  }
0x13: {  	vm0 =	vmmov $0xffff;
	v1 =	vshrl.u32 v2, $0x3;
	s4 =	sadd.s32 s8, s4;
	s7 =	smax.u32 s0, $0x1;
	s8 =	simm.s32 $0x3  }
0x14: {  	v0 =	vand.u32 $0x7, v2;
	v2 =	vor.u32 $0x8, v2;
	v1 =	vmul.u32 $0x8, v1;
	[dreg:$0x4] =	wrdreg s4;
	s4 =	sadd.s32 $0x11900, s6;
	s6 =	sadd.s32 $0x11B00, s6  }
.LBB2_1:
0x15: {  	s20 =	rddreg [dreg:$0x3]  }
0x16: {  	[tilespmem:s2], [sflag:$0x3] =	stream.linear.gather [hbm4b:s20+s2], $0x40, $0x38;
	[tilespmem:$0x10100] =	vst v63  }
0x17: {  	_ =	swait.ge [sflag:s8], $0x40  }
0x18: {  	s0 =	rddreg [dreg:$0x4];
	[sflag:s8] =	ssyncset.done $0x0  }
0x19: {  	s21 =	rddreg [dreg:$0x6];
	[sflag:s8] =	ssyncadd.s32 $0xFFFFFFC0  }
0x1a: {  	[tilespmem:s21], [sflag:$0x3] =	stream.linear.gather [hbm4b:s0+s2], $0x40, $0x38;
	[tilespmem:$0x10100] =	vst v63  }
0x1b: {  	_ =	swait.ge [sflag:s8], $0x40  }
0x1c: {  	[sflag:s8] =	ssyncset.done $0x0  }
0x1d: {  	s1 =	rddreg [dreg:$0x5];
	[sflag:s8] =	ssyncadd.s32 $0xFFFFFFC0  }
0x1e: {  	[tilespmem:s18], [sflag:$0x3] =	stream.linear.gather [hbm4b:s1+s2], $0x10000, $0x38;
	[tilespmem:$0x10100] =	vst v63  }
0x1f: {  	_ =	swait.ge [sflag:s8], $0x10000  }
0x20: {  	[sflag:s8] =	ssyncset.done $0x0  }
0x21: {  	[sflag:s8] =	ssyncadd.s32 $0xFFFF0000  }
0x22: {  	v3 =	vld [tilespmem:$0x0];
	_ =	sdelay $0x4  }
0x23: {  	v4 =	vshll.u32 v3, $0x3  }
0x24: {  	v3 =	vand.u32 $0x7, v3;
	v4 =	vand.u32 $0xFFFFFFC0, v4  }
0x25: {  	v3 =	vor.u32 v3, v4  }
0x26: {  	v4 =	vperm.xlane v3, v0;
	_ =	sdelay $0x1  }
0x27: {  	v4 =	vadd.s32 v1, v4;
	_ =	sdelay $0x4  }
0x28: {  	[hbm4b:s3+s2] =	stream.indirect_vreg.scatter [tilespmem:s18], [sflag:$0x1], $0x80, v4, vm0, $0xb8;
	[tilespmem:$0x10100] =	vst v63  }
0x29: {  	s20 =	simm.s32 $0x900;
	v3 =	vperm.xlane v3, v2  }
0x2a: {  	[hbm4b:s4+s2] =	stream.indirect_vreg.scatter [tilespmem:s20], [sflag:$0x1], $0x80, v4, vm0, $0xb8;
	[tilespmem:$0x10100] =	vst v63  }
0x2b: {  	s21 =	simm.s32 $0x1100;
	v3 =	vadd.s32 v1, v3  }
0x2c: {  	[hbm4b:s5+s2] =	stream.indirect_vreg.scatter [tilespmem:s21], [sflag:$0x1], $0x80, v4, vm0, $0xb8;
	[tilespmem:$0x10100] =	vst v63  }
0x2d: {  	_ = 	snop  }
0x2e: {  	[hbm4b:s6+s2] =	stream.indirect_vreg.scatter [tilespmem:s22], [sflag:$0x1], $0x80, v4, vm0, $0xb8;
	[tilespmem:$0x10100] =	vst v63  }
0x2f: {  	_ = 	snop  }
0x30: {  	[hbm4b:s3+s2] =	stream.indirect_vreg.scatter [tilespmem:s23], [sflag:$0x1], $0x80, v3, vm0, $0xb8;
	[tilespmem:$0x10100] =	vst v63  }
0x31: {  	_ = 	snop  }
0x32: {  	[hbm4b:s4+s2] =	stream.indirect_vreg.scatter [tilespmem:s24], [sflag:$0x1], $0x80, v3, vm0, $0xb8;
	[tilespmem:$0x10100] =	vst v63  }
0x33: {  	_ = 	snop  }
0x34: {  	[hbm4b:s5+s2] =	stream.indirect_vreg.scatter [tilespmem:s25], [sflag:$0x1], $0x80, v3, vm0, $0xb8;
	[tilespmem:$0x10100] =	vst v63  }
0x35: {  	_ = 	snop  }
0x36: {  	[hbm4b:s6+s2] =	stream.indirect_vreg.scatter [tilespmem:s26], [sflag:$0x1], $0x80, v3, vm0, $0xb8;
	[tilespmem:$0x10100] =	vst v63  }
0x37: {  	v3 =	vld [tilespmem:$0x10];
	_ =	sdelay $0x4  }
0x38: {  	v57 =	vshll.u32 v3, $0x3  }
0x39: {  	v3 =	vand.u32 $0x7, v3;
	v4 =	vand.u32 $0xFFFFFFC0, v57  }
0x3a: {  	v3 =	vor.u32 v3, v4  }
0x3b: {  	v4 =	vperm.xlane v3, v0;
	_ =	sdelay $0x1  }
0x3c: {  	v4 =	vadd.s32 v1, v4;
	_ =	sdelay $0x4  }
0x3d: {  	[hbm4b:s3+s2] =	stream.indirect_vreg.scatter [tilespmem:s28], [sflag:$0x1], $0x80, v4, vm0, $0xb8;
	[tilespmem:$0x10100] =	vst v63  }
0x3e: {  	v3 =	vperm.xlane v3, v2  }
0x3f: {  	[hbm4b:s4+s2] =	stream.indirect_vreg.scatter [tilespmem:s29], [sflag:$0x1], $0x80, v4, vm0, $0xb8;
	[tilespmem:$0x10100] =	vst v63  }
0x40: {  	v3 =	vadd.s32 v1, v3  }
0x41: {  	[hbm4b:s5+s2] =	stream.indirect_vreg.scatter [tilespmem:s30], [sflag:$0x1], $0x80, v4, vm0, $0xb8;
	[tilespmem:$0x10100] =	vst v63  }
0x42: {  	_ = 	snop  }
0x43: {  	[hbm4b:s6+s2] =	stream.indirect_vreg.scatter [tilespmem:s31], [sflag:$0x1], $0x80, v4, vm0, $0xb8;
	[tilespmem:$0x10100] =	vst v63  }
0x44: {  	s1 =	simm.s32 $0x6100  }
0x45: {  	[hbm4b:s3+s2] =	stream.indirect_vreg.scatter [tilespmem:s1], [sflag:$0x1], $0x80, v3, vm0, $0xb8;
	[tilespmem:$0x10100] =	vst v63  }
0x46: {  	s0 =	simm.s32 $0x6900  }
0x47: {  	[hbm4b:s4+s2] =	stream.indirect_vreg.scatter [tilespmem:s0], [sflag:$0x1], $0x80, v3, vm0, $0xb8;
	[tilespmem:$0x10100] =	vst v63  }
0x48: {  	_ = 	snop  }
0x49: {  	[hbm4b:s5+s2] =	stream.indirect_vreg.scatter [tilespmem:s10], [sflag:$0x1], $0x80, v3, vm0, $0xb8;
	[tilespmem:$0x10100] =	vst v63  }
0x4a: {  	_ = 	snop  }
0x4b: {  	[hbm4b:s6+s2] =	stream.indirect_vreg.scatter [tilespmem:s11], [sflag:$0x1], $0x80, v3, vm0, $0xb8;
	[tilespmem:$0x10100] =	vst v63  }
0x4c: {  	v3 =	vld [tilespmem:$0x20];
	_ =	sdelay $0x4  }
0x4d: {  	v58 =	vshll.u32 v3, $0x3  }
0x4e: {  	v3 =	vand.u32 $0x7, v3;
	v4 =	vand.u32 $0xFFFFFFC0, v58  }
0x4f: {  	v3 =	vor.u32 v3, v4  }
0x50: {  	v4 =	vperm.xlane v3, v0;
	_ =	sdelay $0x1  }
0x51: {  	v4 =	vadd.s32 v1, v4;
	_ =	sdelay $0x4  }
0x52: {  	[hbm4b:s3+s2] =	stream.indirect_vreg.scatter [tilespmem:s12], [sflag:$0x1], $0x80, v4, vm0, $0xb8;
	[tilespmem:$0x10100] =	vst v63  }
0x53: {  	v3 =	vperm.xlane v3, v2  }
0x54: {  	[hbm4b:s4+s2] =	stream.indirect_vreg.scatter [tilespmem:s13], [sflag:$0x1], $0x80, v4, vm0, $0xb8;
	[tilespmem:$0x10100] =	vst v63  }
0x55: {  	v3 =	vadd.s32 v1, v3  }
0x56: {  	[hbm4b:s5+s2] =	stream.indirect_vreg.scatter [tilespmem:s14], [sflag:$0x1], $0x80, v4, vm0, $0xb8;
	[tilespmem:$0x10100] =	vst v63  }
0x57: {  	_ = 	snop  }
0x58: {  	[hbm4b:s6+s2] =	stream.indirect_vreg.scatter [tilespmem:s15], [sflag:$0x1], $0x80, v4, vm0, $0xb8;
	[tilespmem:$0x10100] =	vst v63  }
0x59: {  	_ = 	snop  }
0x5a: {  	[hbm4b:s3+s2] =	stream.indirect_vreg.scatter [tilespmem:s16], [sflag:$0x1], $0x80, v3, vm0, $0xb8;
	[tilespmem:$0x10100] =	vst v63  }
0x5b: {  	_ = 	snop  }
0x5c: {  	[hbm4b:s4+s2] =	stream.indirect_vreg.scatter [tilespmem:s17], [sflag:$0x1], $0x80, v3, vm0, $0xb8;
	[tilespmem:$0x10100] =	vst v63  }
0x5d: {  	_ = 	snop  }
0x5e: {  	[hbm4b:s5+s2] =	stream.indirect_vreg.scatter [tilespmem:s9], [sflag:$0x1], $0x80, v3, vm0, $0xb8;
	[tilespmem:$0x10100] =	vst v63  }
0x5f: {  	_ = 	snop  }
0x60: {  	[hbm4b:s6+s2] =	stream.indirect_vreg.scatter [tilespmem:s19], [sflag:$0x1], $0x80, v3, vm0, $0xb8;
	[tilespmem:$0x10100] =	vst v63  }
0x61: {  	v3 =	vld [tilespmem:$0x30];
	_ =	sdelay $0x4  }
0x62: {  	v59 =	vshll.u32 v3, $0x3  }
0x63: {  	v3 =	vand.u32 $0x7, v3;
	v4 =	vand.u32 $0xFFFFFFC0, v59  }
0x64: {  	v3 =	vor.u32 v3, v4  }
0x65: {  	v4 =	vperm.xlane v3, v0;
	_ =	sdelay $0x1  }
0x66: {  	v4 =	vadd.s32 v1, v4;
	_ =	sdelay $0x3  }
0x67: {  	s0 =	simm.s32 $0xC100  }
0x68: {  	[hbm4b:s3+s2] =	stream.indirect_vreg.scatter [tilespmem:s0], [sflag:$0x1], $0x80, v4, vm0, $0xb8;
	[tilespmem:$0x10100] =	vst v63  }
0x69: {  	v3 =	vperm.xlane v3, v2;
	s0 =	simm.s32 $0xC900  }
0x6a: {  	[hbm4b:s4+s2] =	stream.indirect_vreg.scatter [tilespmem:s0], [sflag:$0x1], $0x80, v4, vm0, $0xb8;
	[tilespmem:$0x10100] =	vst v63  }
0x6b: {  	v3 =	vadd.s32 v1, v3;
	s0 =	simm.s32 $0xD100  }
0x6c: {  	[hbm4b:s5+s2] =	stream.indirect_vreg.scatter [tilespmem:s0], [sflag:$0x1], $0x80, v4, vm0, $0xb8;
	[tilespmem:$0x10100] =	vst v63  }
0x6d: {  	s0 =	simm.s32 $0xD900  }
0x6e: {  	[hbm4b:s6+s2] =	stream.indirect_vreg.scatter [tilespmem:s0], [sflag:$0x1], $0x80, v4, vm0, $0xb8;
	[tilespmem:$0x10100] =	vst v63  }
0x6f: {  	s0 =	simm.s32 $0xE100  }
0x70: {  	[hbm4b:s3+s2] =	stream.indirect_vreg.scatter [tilespmem:s0], [sflag:$0x1], $0x80, v3, vm0, $0xb8;
	[tilespmem:$0x10100] =	vst v63  }
0x71: {  	s0 =	simm.s32 $0xE900  }
0x72: {  	[hbm4b:s4+s2] =	stream.indirect_vreg.scatter [tilespmem:s0], [sflag:$0x1], $0x80, v3, vm0, $0xb8;
	[tilespmem:$0x10100] =	vst v63  }
0x73: {  	s0 =	simm.s32 $0xF100  }
0x74: {  	[hbm4b:s5+s2] =	stream.indirect_vreg.scatter [tilespmem:s0], [sflag:$0x1], $0x80, v3, vm0, $0xb8;
	[tilespmem:$0x10100] =	vst v63  }
0x75: {  	s0 =	simm.s32 $0xF900  }
0x76: {  	[hbm4b:s6+s2] =	stream.indirect_vreg.scatter [tilespmem:s0], [sflag:$0x1], $0x80, v3, vm0, $0xb8;
	[tilespmem:$0x10100] =	vst v63  }
0x77: {  	v3 =	vld [tilespmem:$0x80];
	_ =	sdelay $0x4  }
0x78: {  	v60 =	vshll.u32 v3, $0x3  }
0x79: {  	v3 =	vand.u32 $0x7, v3;
	v4 =	vand.u32 $0xFFFFFFC0, v60  }
0x7a: {  	v3 =	vor.u32 v3, v4  }
0x7b: {  	v4 =	vperm.xlane v3, v0;
	_ =	sdelay $0x1  }
0x7c: {  	v4 =	vadd.s32 v1, v4;
	_ =	sdelay $0x4  }
0x7d: {  	[hbm4b:s3+s2] =	stream.indirect_vreg.scatter [tilespmem:s18], [sflag:$0x2], $0x80, v4, vm0, $0xb8;
	[tilespmem:$0x10100] =	vst v63  }
0x7e: {  	v3 =	vperm.xlane v3, v2  }
0x7f: {  	[hbm4b:s4+s2] =	stream.indirect_vreg.scatter [tilespmem:s20], [sflag:$0x2], $0x80, v4, vm0, $0xb8;
	[tilespmem:$0x10100] =	vst v63  }
0x80: {  	v3 =	vadd.s32 v1, v3  }
0x81: {  	[hbm4b:s5+s2] =	stream.indirect_vreg.scatter [tilespmem:s21], [sflag:$0x2], $0x80, v4, vm0, $0xb8;
	[tilespmem:$0x10100] =	vst v63  }
0x82: {  	_ = 	snop  }
0x83: {  	[hbm4b:s6+s2] =	stream.indirect_vreg.scatter [tilespmem:s22], [sflag:$0x2], $0x80, v4, vm0, $0xb8;
	[tilespmem:$0x10100] =	vst v63  }
0x84: {  	_ = 	snop  }
0x85: {  	[hbm4b:s3+s2] =	stream.indirect_vreg.scatter [tilespmem:s23], [sflag:$0x2], $0x80, v3, vm0, $0xb8;
	[tilespmem:$0x10100] =	vst v63  }
0x86: {  	_ = 	snop  }
0x87: {  	[hbm4b:s4+s2] =	stream.indirect_vreg.scatter [tilespmem:s24], [sflag:$0x2], $0x80, v3, vm0, $0xb8;
	[tilespmem:$0x10100] =	vst v63  }
0x88: {  	_ = 	snop  }
0x89: {  	[hbm4b:s5+s2] =	stream.indirect_vreg.scatter [tilespmem:s25], [sflag:$0x2], $0x80, v3, vm0, $0xb8;
	[tilespmem:$0x10100] =	vst v63  }
0x8a: {  	_ = 	snop  }
0x8b: {  	[hbm4b:s6+s2] =	stream.indirect_vreg.scatter [tilespmem:s26], [sflag:$0x2], $0x80, v3, vm0, $0xb8;
	[tilespmem:$0x10100] =	vst v63  }
0x8c: {  	v3 =	vld [tilespmem:$0x90];
	_ =	sdelay $0x4  }
0x8d: {  	v61 =	vshll.u32 v3, $0x3  }
0x8e: {  	v3 =	vand.u32 $0x7, v3;
	v4 =	vand.u32 $0xFFFFFFC0, v61  }
0x8f: {  	v3 =	vor.u32 v3, v4  }
0x90: {  	v4 =	vperm.xlane v3, v0;
	_ =	sdelay $0x1  }
0x91: {  	v4 =	vadd.s32 v1, v4;
	_ =	sdelay $0x4  }
0x92: {  	[hbm4b:s3+s2] =	stream.indirect_vreg.scatter [tilespmem:s28], [sflag:$0x2], $0x80, v4, vm0, $0xb8;
	[tilespmem:$0x10100] =	vst v63  }
0x93: {  	v3 =	vperm.xlane v3, v2  }
0x94: {  	[hbm4b:s4+s2] =	stream.indirect_vreg.scatter [tilespmem:s29], [sflag:$0x2], $0x80, v4, vm0, $0xb8;
	[tilespmem:$0x10100] =	vst v63  }
0x95: {  	v3 =	vadd.s32 v1, v3  }
0x96: {  	[hbm4b:s5+s2] =	stream.indirect_vreg.scatter [tilespmem:s30], [sflag:$0x2], $0x80, v4, vm0, $0xb8;
	[tilespmem:$0x10100] =	vst v63  }
0x97: {  	_ = 	snop  }
0x98: {  	[hbm4b:s6+s2] =	stream.indirect_vreg.scatter [tilespmem:s31], [sflag:$0x2], $0x80, v4, vm0, $0xb8;
	[tilespmem:$0x10100] =	vst v63  }
0x99: {  	_ = 	snop  }
0x9a: {  	[hbm4b:s3+s2] =	stream.indirect_vreg.scatter [tilespmem:s1], [sflag:$0x2], $0x80, v3, vm0, $0xb8;
	[tilespmem:$0x10100] =	vst v63  }
0x9b: {  	s20 =	simm.s32 $0x6900  }
0x9c: {  	[hbm4b:s4+s2] =	stream.indirect_vreg.scatter [tilespmem:s20], [sflag:$0x2], $0x80, v3, vm0, $0xb8;
	[tilespmem:$0x10100] =	vst v63  }
0x9d: {  	_ = 	snop  }
0x9e: {  	[hbm4b:s5+s2] =	stream.indirect_vreg.scatter [tilespmem:s10], [sflag:$0x2], $0x80, v3, vm0, $0xb8;
	[tilespmem:$0x10100] =	vst v63  }
0x9f: {  	_ = 	snop  }
0xa0: {  	[hbm4b:s6+s2] =	stream.indirect_vreg.scatter [tilespmem:s11], [sflag:$0x2], $0x80, v3, vm0, $0xb8;
	[tilespmem:$0x10100] =	vst v63  }
0xa1: {  	v3 =	vld [tilespmem:$0xA0];
	_ =	sdelay $0x4  }
0xa2: {  	v62 =	vshll.u32 v3, $0x3  }
0xa3: {  	v3 =	vand.u32 $0x7, v3;
	v4 =	vand.u32 $0xFFFFFFC0, v62  }
0xa4: {  	v3 =	vor.u32 v3, v4  }
0xa5: {  	v4 =	vperm.xlane v3, v0;
	_ =	sdelay $0x1  }
0xa6: {  	v4 =	vadd.s32 v1, v4;
	_ =	sdelay $0x4  }
0xa7: {  	[hbm4b:s3+s2] =	stream.indirect_vreg.scatter [tilespmem:s12], [sflag:$0x2], $0x80, v4, vm0, $0xb8;
	[tilespmem:$0x10100] =	vst v63  }
0xa8: {  	v3 =	vperm.xlane v3, v2  }
0xa9: {  	[hbm4b:s4+s2] =	stream.indirect_vreg.scatter [tilespmem:s13], [sflag:$0x2], $0x80, v4, vm0, $0xb8;
	[tilespmem:$0x10100] =	vst v63  }
0xaa: {  	v3 =	vadd.s32 v1, v3  }
0xab: {  	[hbm4b:s5+s2] =	stream.indirect_vreg.scatter [tilespmem:s14], [sflag:$0x2], $0x80, v4, vm0, $0xb8;
	[tilespmem:$0x10100] =	vst v63  }
0xac: {  	_ = 	snop  }
0xad: {  	[hbm4b:s6+s2] =	stream.indirect_vreg.scatter [tilespmem:s15], [sflag:$0x2], $0x80, v4, vm0, $0xb8;
	[tilespmem:$0x10100] =	vst v63  }
0xae: {  	_ = 	snop  }
0xaf: {  	[hbm4b:s3+s2] =	stream.indirect_vreg.scatter [tilespmem:s16], [sflag:$0x2], $0x80, v3, vm0, $0xb8;
	[tilespmem:$0x10100] =	vst v63  }
0xb0: {  	_ = 	snop  }
0xb1: {  	[hbm4b:s4+s2] =	stream.indirect_vreg.scatter [tilespmem:s17], [sflag:$0x2], $0x80, v3, vm0, $0xb8;
	[tilespmem:$0x10100] =	vst v63  }
0xb2: {  	_ = 	snop  }
0xb3: {  	[hbm4b:s5+s2] =	stream.indirect_vreg.scatter [tilespmem:s9], [sflag:$0x2], $0x80, v3, vm0, $0xb8;
	[tilespmem:$0x10100] =	vst v63  }
0xb4: {  	_ = 	snop  }
0xb5: {  	[hbm4b:s6+s2] =	stream.indirect_vreg.scatter [tilespmem:s19], [sflag:$0x2], $0x80, v3, vm0, $0xb8;
	[tilespmem:$0x10100] =	vst v63  }
0xb6: {  	v3 =	vld [tilespmem:$0xB0];
	_ =	sdelay $0x4  }
0xb7: {  	v63 =	vshll.u32 v3, $0x3  }
0xb8: {  	v3 =	vand.u32 $0x7, v3;
	v4 =	vand.u32 $0xFFFFFFC0, v63  }
0xb9: {  	v3 =	vor.u32 v3, v4  }
0xba: {  	v4 =	vperm.xlane v3, v0;
	_ =	sdelay $0x1  }
0xbb: {  	v4 =	vadd.s32 v1, v4;
	_ =	sdelay $0x3  }
0xbc: {  	s21 =	simm.s32 $0xC100  }
0xbd: {  	[hbm4b:s3+s2] =	stream.indirect_vreg.scatter [tilespmem:s21], [sflag:$0x2], $0x80, v4, vm0, $0xb8;
	[tilespmem:$0x10100] =	vst v63  }
0xbe: {  	s20 =	simm.s32 $0xC900;
	v3 =	vperm.xlane v3, v2  }
0xbf: {  	[hbm4b:s4+s2] =	stream.indirect_vreg.scatter [tilespmem:s20], [sflag:$0x2], $0x80, v4, vm0, $0xb8;
	[tilespmem:$0x10100] =	vst v63  }
0xc0: {  	v3 =	vadd.s32 v1, v3;
	s21 =	simm.s32 $0xD100  }
0xc1: {  	[hbm4b:s5+s2] =	stream.indirect_vreg.scatter [tilespmem:s21], [sflag:$0x2], $0x80, v4, vm0, $0xb8;
	[tilespmem:$0x10100] =	vst v63  }
0xc2: {  	s20 =	simm.s32 $0xD900  }
0xc3: {  	[hbm4b:s6+s2] =	stream.indirect_vreg.scatter [tilespmem:s20], [sflag:$0x2], $0x80, v4, vm0, $0xb8;
	[tilespmem:$0x10100] =	vst v63  }
0xc4: {  	s21 =	simm.s32 $0xE100  }
0xc5: {  	[hbm4b:s3+s2] =	stream.indirect_vreg.scatter [tilespmem:s21], [sflag:$0x2], $0x80, v3, vm0, $0xb8;
	[tilespmem:$0x10100] =	vst v63  }
0xc6: {  	s20 =	simm.s32 $0xE900  }
0xc7: {  	[hbm4b:s4+s2] =	stream.indirect_vreg.scatter [tilespmem:s20], [sflag:$0x2], $0x80, v3, vm0, $0xb8;
	[tilespmem:$0x10100] =	vst v63  }
0xc8: {  	s21 =	simm.s32 $0xF100  }
0xc9: {  	[hbm4b:s5+s2] =	stream.indirect_vreg.scatter [tilespmem:s21], [sflag:$0x2], $0x80, v3, vm0, $0xb8;
	[tilespmem:$0x10100] =	vst v63  }
0xca: {  	s20 =	simm.s32 $0x1  }
0xcb: {  	[hbm4b:s6+s2] =	stream.indirect_vreg.scatter [tilespmem:s0], [sflag:$0x2], $0x80, v3, vm0, $0xb8;
	[tilespmem:$0x10100] =	vst v63  }
0xcc: {  	p0 =	sne.s32 s7, $0x1;
	_ =	swait.ge [sflag:s20], $0x10000  }
.Ltmp0:
0xcd: {  	[sflag:s20] =	ssyncset.done $0x0;
	(pc) =	sbr.rel @p0 .LBB2_1-.Ltmp0, $4  }
0xce: {  	s21 =	simm.s32 $0x2;
	[sflag:s20] =	ssyncadd.s32 $0xFFFF0000  }
0xcf: {  	_ =	swait.ge [sflag:s21], $0x10000  }
0xd0: {  	[sflag:s21] =	ssyncset.done $0x0  }
0xd1: {  	s7 =	sadd.s32 $0xFFFFFFFF, s7;
	[sflag:s21] =	ssyncadd.s32 $0xFFFF0000  }
0xd2: {  	_ =	sfence.sel $0x180000  }
0xd3: {  	[bflag:$0x0] =	sbarrier.arrive $0xFFFF  }
0xd4: {  	_ =	strace $0x90000047  }
0xd5: {  	s0 =	stileid.u32;
	[bflag:$0x2] =	sbarrier.arrive $0xFFFF  }
0xd6: {  	p0 =	sne.s32 s0, $0x0;
	s0 =	rddreg [dreg:$0x2]  }
0xd7: {  	s0 =	sadd.s32 @!p0 $0x100000, s0  }
0xd8: {  	[sflag:s0] =	ssyncadd.tile.s32 @!p0 $0x1;
	_ =	shalt  }
.Lfunc_end2:
_tile_overlayer_lowered:
.L_overlay_start_2:
0xd9: {  	(tag) =	ssettag $0x2  }
0xda: {  	s0 =	rddreg [dreg:$0x0];
	s2 =	stileid.u32  }
0xdb: {  	s1 =	rddreg [dreg:$0x1];
	p0 =	sne.s32 s2, $0x0  }
0xdc: {  	s3 =	rddreg [dreg:$0x2];
	[bflag:$0x3] =	sbarrier.arrive $0xFFFF;
	s2 =	simm.s32 @!p0 $0x1C03  }
0xdd: {  	[timem:s3], [sflag:s2] =	dma.local @!p0 [hbm:s0], s1  }
0xde: {  	s0 =	simm.s32 @!p0 $0x3  }
0xdf: {  	_ =	swait.ge @!p0 [sflag:s0], s1  }
0xe0: {  	s1 =	ssub.s32 @!p0 $0x0, s1;
	[sflag:s0] =	ssyncset.done @!p0 $0x0  }
0xe1: {  	[sflag:s0] =	ssyncadd.s32 @!p0 s1  }
0xe2: {  	[bflag:$0x3] =	sbarrier.arrive $0xFFFF  }
0xe3: {  	_ =	shalt  }

// kernel: kernel.9.cloned.1.call-start
scs
__scs_entry_jumppad:
0x0: {  	(pc) =	sbr.rel $0x88, $3  }
0x1: {  	(tag) =	ssettag $0x0;
	lr =	simm.s32 $0x1  }
0x2: {  	[smem:$0x3F9D] =	sst lr;
	_ =	strace $0xD0000000  }
0x3: {  	_ = 	snop  }
0x4: {  	_ = 	snop  }
0x5: {  	_ = 	snop  }
0x6: {  	_ = 	snop  }
0x7: {  	_ = 	snop  }
__scs_overlays_trampoline_lowered:
0x8: {  	[smem:$0x3FAC] =	sst s0  }
0x9: {  	[smem:$0x3FAD] =	sst s1  }
0xa: {  	[smem:$0x3FAE] =	sst s2  }
0xb: {  	[smem:$0x3FAF] =	sst s3  }
0xc: {  	[smem:$0x3FB0] =	sst s4  }
0xd: {  	[smem:$0x3FB1] =	sst s5  }
0xe: {  	[smem:$0x3FB2] =	sst s6  }
0xf: {  	[smem:$0x3FB3] =	sst s7  }
0x10: {  	[smem:$0x3FB4] =	sst s8  }
0x11: {  	[smem:$0x3FB5] =	sst s9;
	s0 =	simm.s32 @!p0 $0x0  }
0x12: {  	s1 =	sld [smem:$0x3F9B];
	s0 =	simm.s32 @p0 $0x1  }
0x13: {  	[smem:$0x3FB6] =	sst s0;
	s0 =	simm.s32 @!p1 $0x0  }
0x14: {  	s2 =	sld [smem:$0x3F9A];
	s0 =	simm.s32 @p1 $0x1  }
0x15: {  	[smem:$0x3FB7] =	sst s0;
	s0 =	simm.s32 @!p2 $0x0  }
0x16: {  	s3 =	sld [smem:$0x3FDB];
	s0 =	simm.s32 @p2 $0x1  }
0x17: {  	s4 =	simm.s32 $0x1BF5;
	[smem:$0x3FB9] =	sst s0  }
0x18: {  	s0 =	sld [smem:$0x3F9C];
	_ =	swait.ge [sflag:s4], $0x0  }
0x19: {  	s7 =	sld [smem:$0x3F9D]  }
0x1a: {  	s8 =	sadd.s32 $0xFFFFE003, lr  }
0x1b: {  	s9 =	sadd.s32 $0xFFFFFEF7, lr;
	s5 =	simm.s32 $0xFFFFFFFF;
	p2 =	slt.u32 s8, $0xFFFFF086  }
0x1c: {  	p1 =	slt.u32 s9, $0xF7A;
	s5 =	simm.s32 @!p2 $0x0  }
0x1d: {  	s5 =	simm.s32 @p1 $0x1;
	p0 =	seq.s32 s7, s2  }
0x1e: {  	s7 =	smul.u32 @!p0 $0xF7A, s2;
	p2 =	seq.s32 @!p0 s5, $0x0  }
0x1f: {  	s9 =	smul.u32 $0xF7A, s1;
	s8 =	simm.s32 @!p0 $0x1BF5;
	p2 =	por !p2, p0  }
0x20: {  	[sflag:s8] =	ssyncset.s32 @!p0 $0xFFFFF086;
	s6 =	sadd.s32 @!p0 s3, s7;
	s7 =	simm.s32 @!p0 $0x108  }
0x21: {  	s3 =	sadd.s32 s3, s9;
	s6 =	sadd.s32 @!p0 $0x88, s6;
	s7 =	simm.s32 @p2 $0x1082  }
0x22: {  	[simem:s7], [sflag:s8] =	dma.local @!p0 [hbm:s6], $0xF7A  }
0x23: {  	s9 =	sor.u32 $0xD0000000, s2;
	s6 =	simm.s32 $0x108;
	_ =	swait.ge @!p0 [sflag:s8], $0x0  }
0x24: {  	s3 =	sadd.s32 $0x88, s3;
	s6 =	simm.s32 @!p1 $0x1082;
	[sflag:s4] =	ssyncset.s32 $0xFFFFF086  }
0x25: {  	[simem:s6], [sflag:s4] =	dma.local [hbm:s3], $0xF7A  }
0x26: {  	[smem:$0x3F9D] =	sst s1;
	(tag) =	ssettag s2;
	_ =	strace s9  }
0x27: {  	s1 =	sld [smem:$0x3FAD]  }
0x28: {  	s2 =	sld [smem:$0x3FAE]  }
0x29: {  	s4 =	sld [smem:$0x3FB0]  }
0x2a: {  	p0 =	seq.s32 s5, $0x0;
	s5 =	sld [smem:$0x3FB1]  }
0x2b: {  	s6 =	sld [smem:$0x3FB2]  }
0x2c: {  	s7 =	sld [smem:$0x3FB3]  }
0x2d: {  	s3 =	simm.s32 $0x108;
	s8 =	sld [smem:$0x3FB4]  }
0x2e: {  	s3 =	simm.s32 @!p0 $0x1082;
	s9 =	sld [smem:$0x3FB5]  }
0x2f: {  	lr =	sadd.s32 s0, s3;
	s0 =	sld [smem:$0x3FAC]  }
0x30: {  	s3 =	sld [smem:$0x3FAF]  }
0x31: {  	[smem:$0x3FB8] =	sst s10  }
0x32: {  	s10 =	sld [smem:$0x3FB6];
	_ =	sdelay $0x3  }
0x33: {  	p0 =	seq.s32 s10, $0x1;
	s10 =	sld [smem:$0x3FB8];
	_ =	sdelay $0x3  }
0x34: {  	[smem:$0x3FB8] =	sst s10  }
0x35: {  	s10 =	sld [smem:$0x3FB7];
	_ =	sdelay $0x3  }
0x36: {  	p1 =	seq.s32 s10, $0x1;
	s10 =	sld [smem:$0x3FB8];
	_ =	sdelay $0x3  }
0x37: {  	[smem:$0x3FB8] =	sst s10  }
0x38: {  	s10 =	sld [smem:$0x3FB9]  }
0x39: {  	_ = 	snop;
	(pc) =	sbr.ind lr, $3  }
0x3a: {  	_ = 	snop  }
0x3b: {  	_ = 	snop  }
0x3c: {  	p2 =	seq.s32 s10, $0x1;
	s10 =	sld [smem:$0x3FB8]  }
0x3d: {  	_ =	shalt  }
0x3e: {  	_ =	shalt  }
0x3f: {  	_ =	shalt  }
0x40: {  	_ =	shalt  }
0x41: {  	_ =	shalt  }
0x42: {  	_ =	shalt  }
0x43: {  	_ =	shalt  }
0x44: {  	_ =	shalt  }
0x45: {  	_ =	shalt  }
0x46: {  	_ =	shalt  }
0x47: {  	_ =	shalt  }
0x48: {  	_ =	shalt  }
0x49: {  	_ =	shalt  }
0x4a: {  	_ =	shalt  }
0x4b: {  	_ =	shalt  }
0x4c: {  	_ =	shalt  }
0x4d: {  	_ =	shalt  }
0x4e: {  	_ =	shalt  }
0x4f: {  	_ =	shalt  }
0x50: {  	_ =	shalt  }
0x51: {  	_ =	shalt  }
0x52: {  	_ =	shalt  }
0x53: {  	_ =	shalt  }
0x54: {  	_ =	shalt  }
0x55: {  	_ =	shalt  }
0x56: {  	_ =	shalt  }
0x57: {  	_ =	shalt  }
0x58: {  	_ =	shalt  }
0x59: {  	_ =	shalt  }
0x5a: {  	_ =	shalt  }
0x5b: {  	_ =	shalt  }
0x5c: {  	_ =	shalt  }
0x5d: {  	_ =	shalt  }
0x5e: {  	_ =	shalt  }
0x5f: {  	_ =	shalt  }
0x60: {  	_ =	shalt  }
0x61: {  	_ =	shalt  }
0x62: {  	_ =	shalt  }
0x63: {  	_ =	shalt  }
0x64: {  	_ =	shalt  }
0x65: {  	_ =	shalt  }
0x66: {  	_ =	shalt  }
0x67: {  	_ =	shalt  }
0x68: {  	_ =	shalt  }
0x69: {  	_ =	shalt  }
0x6a: {  	_ =	shalt  }
0x6b: {  	_ =	shalt  }
0x6c: {  	_ =	shalt  }
0x6d: {  	_ =	shalt  }
0x6e: {  	_ =	shalt  }
0x6f: {  	_ =	shalt  }
0x70: {  	_ =	shalt  }
0x71: {  	_ =	shalt  }
0x72: {  	_ =	shalt  }
0x73: {  	_ =	shalt  }
0x74: {  	_ =	shalt  }
0x75: {  	_ =	shalt  }
0x76: {  	_ =	shalt  }
0x77: {  	_ =	shalt  }
0x78: {  	_ =	shalt  }
0x79: {  	_ =	shalt  }
0x7a: {  	_ =	shalt  }
0x7b: {  	_ =	shalt  }
0x7c: {  	_ =	shalt  }
0x7d: {  	_ =	shalt  }
0x7e: {  	_ =	shalt  }
0x7f: {  	_ =	shalt  }
0x80: {  	_ =	shalt  }
0x81: {  	_ =	shalt  }
0x82: {  	_ =	shalt  }
0x83: {  	_ =	shalt  }
0x84: {  	_ =	shalt  }
0x85: {  	_ =	shalt  }
0x86: {  	_ =	shalt  }
0x87: {  	_ =	shalt  }
.Lfunc_end0:
.L_simem_size_0:
called_computation.1_lowered:
.L_overlay_start_0:
0x88: {  	s2 =	sld [smem:$0x3FD9]  }
0x89: {  	s3 =	sld [smem:$0x3FFE];
	_ =	sdelay $0x1  }
0x8a: {  	s1 =	srdreg.scid  }
0x8b: {  	s0 =	sand.u32 $0x1, s1  }
0x8c: {  	s17 =	sshll.u32 s0, $0xA;
	s2 =	sadd.s32 s3, s2  }
0x8d: {  	s2 =	sadd.s32 s2, s17  }
0x8e: {  	[smem:$0x3FC4] =	sst s2  }
0x8f: {  	_ = 	snop  }
0x90: {  	s2 =	sld [smem:$0x3FD0];
	(tm) =	ssettm $0x1  }
0x91: {  	s18 =	sld [smem:$0x3FFB];
	_ =	sdelay $0x3  }
0x92: {  	_ =	strace s18  }
0x93: {  	s3 =	sld [smem:$0x3FFC];
	_ =	sdelay $0x3  }
0x94: {  	_ =	strace s3  }
0x95: {  	s3 =	sld [smem:$0x3FFD];
	_ =	sdelay $0x3  }
0x96: {  	_ =	strace s3  }
0x97: {  	_ =	strace $0x8FFFFFFF  }
0x98: {  	s19 =	sld [smem:$0x3FDB];
	_ =	sdelay $0x1  }
0x99: {  	s4 =	simm.s32 $_scs_section_size  }
0x9a: {  	s5 =	simm.s32 $_size__tile_overlayer_lowered;
	s6 =	simm.s32 $_tile_overlayer_lowered  }
0x9b: {  	s22 =	simm.s32 $0x1BFF;
	s21 =	sshll.u32 s6, $0x1;
	s3 =	sadd.s32 s4, s19  }
0x9c: {  	s7 =	simm.s32 $0x0;
	s20 =	sshll.u32 s5, $0x1;
	s5 =	sadd.s32 s21, s3  }
0x9d: {  	[timem:s7], [sflag:s22] =	dma.local [hbm:s5], s20  }
0x9e: {  	_ =	swait.ge [sflag:s22], s20  }
0x9f: {  	s4 =	ssub.s32 $0x0, s20;
	[sflag:s22] =	ssyncset.done $0x0  }
0xa0: {  	[sflag:s22] =	ssyncadd.s32 s4;
	_ =	sdelay $0x1  }
0xa1: {  	s23 =	simm.s32 $0x1B8B  }
0xa2: {  	_ =	swait.ge [sflag:s23], $0x1  }
0xa3: {  	[sflag:s23] =	ssyncset.done $0x0  }
0xa4: {  	s25 =	simm.s32 $0x1B8E;
	s24 =	sld [smem:$0x3FFE];
	[sflag:s23] =	ssyncadd.s32 $0xFFFFFFFF  }
0xa5: {  	s26 =	simm.s32 $execute0_lowered;
	[smem:$0x3FD2] =	sst s25  }
0xa6: {  	s5 =	sshll.u32 s26, $0x1;
	_ =	strace $0x80000049;
	[dreg:$0x1] =	wrdreg $0xFFFFFFFF  }
0xa7: {  	s28 =	simm.s32 $_size_execute0_lowered;
	s3 =	sadd.s32 s3, s5;
	[dreg:$0x0] =	wrdreg $0x0  }
0xa8: {  	s5 =	sshll.u32 s28, $0x1;
	[dreg:$0x2] =	wrdreg s3  }
0xa9: {  	[dreg:$0x3] =	wrdreg s5  }
0xaa: {  	[dreg:$0x4] =	wrdreg $0xC0  }
0xab: {  	_ =	task [dreg:s7], $0x5FFFF  }
0xac: {  	[dreg:$0x1] =	wrdreg $0xFFFFFFFF  }
0xad: {  	[dreg:$0x0] =	wrdreg $0x60  }
0xae: {  	[dreg:$0x2] =	wrdreg s24  }
0xaf: {  	[dreg:$0x3] =	wrdreg s2  }
0xb0: {  	[dreg:$0x4] =	wrdreg $0x9  }
0xb1: {  	_ =	task.clear_ibuf [dreg:s7], $0x5FFFF;
	_ =	strace $0x90000049  }
0xb2: {  	s29 =	simm.s32 $0x9;
	_ =	strace $0x8000004B  }
0xb3: {  	_ =	swait.ge [sflag:s29], $0x1  }
0xb4: {  	[sflag:s29] =	ssyncadd.s32 $0xFFFFFFFF  }
0xb5: {  	_ =	strace $0x9000004B  }
0xb6: {  	_ =	sfence  }
0xb7: {  	s30 =	sld [smem:$0x0];
	_ =	sdelay $0x2  }
0xb8: {  	s31 =	sshll.u32 s1, $0xD;
	s1 =	sshrl.u32 s1, $0x2  }
0xb9: {  	s3 =	sand.u32 $0x4000, s31;
	s1 =	sadd.s32 s1, s30  }
0xba: {  	s0 =	sor.u32 s3, s0;
	s1 =	sshll.u32 s1, $0x11  }
0xbb: {  	s0 =	sor.u32 s1, s0  }
0xbc: {  	s0 =	sadd.s32 $0x8F2B, s0  }
0xbd: {  	[sflag:s0] =	ssyncadd.remote.s32 $0x1  }
0xbe: {  	_ =	sfence.sel $0xFFFF  }
0xbf: {  	[dreg:$0x0] =	wrdreg $0xFFFFFFFF;
	(pc) =	sbr.abs _section_cstart, $3  }
0xc0: {  	[dreg:$0x1] =	wrdreg $0xFFFFFFFF  }
0xc1: {  	_ =	task.clear_ibuf [dreg:s7], $0x2FFFF;
	_ =	strace $0x9FFFFFFF  }
0xc2: {  	(tm) =	ssettm $0x7FFFFFFF  }
0xc3: {  	_ =	shalt  }
tec
execute0_lowered:
.L_overlay_start_1:
0x0: {  	(tag) =	ssettag $0x1  }
0x1: {  	s0 =	rddreg [dreg:$0x0]  }
0x2: {  	s1 =	rddreg [dreg:$0x1]  }
0x3: {  	s3 =	srdreg.scid;
	s2 =	simm.s32 $0x0;
	s5 =	stileid.u32  }
0x4: {  	s14 =	simm.s32 $0x3;
	s18 =	simm.s32 $0x4100;
	s19 =	simm.s32 $0xF100  }
0x5: {  	s20 =	simm.s32 $0xF900;
	s12 =	simm.s32 $0x10100;
	s21 =	simm.s32 $0x10900  }
0x6: {  	s13 =	simm.s32 $0x11100;
	s28 =	simm.s32 $0x1;
	s29 =	simm.s32 $0x2  }
0x7: {  	s30 =	simm.s32 $0x0;
	s4 =	sand.u32 $0x1, s3;
	[smem:$0x7FF] =	sst s2  }
0x8: {  	s5 =	sshll.u32 s5, $0x7;
	s3 =	sadd.s32 $0x111800, s0;
	s7 =	sadd.s32 $0x1600, s0  }
0x9: {  	s11 =	sadd.s32 $0x111B00, s0;
	s6 =	sshll.u32 s4, $0x6;
	s4 =	ssub.s32 $0x2, s4  }
0xa: {  	_ =	strace $0x8000004A;
	s5 =	sor.u32 s6, s5;
	s22 =	sshrl.u32 s4, $0x1  }
0xb: {  	s8 =	sshll.u32 s5, $0x4;
	s9 =	sshll.u32 s5, $0x1;
	s4 =	ssub.s32 s4, s22  }
0xc: {  	s5 =	sshll.u32 s5, $0x7;
	s22 =	simm.s32 $0x11900;
	s8 =	sadd.s32 s8, s0  }
0xd: {  	s10 =	sand.u32 $0xF00, s9;
	s9 =	sor.u32 s6, s9;
	s1 =	sadd.s32 s1, s5  }
0xe: {  	s31 =	smax.u32 s4, $0x1;
	s4 =	simm.s32 $0xD100;
	s5 =	simm.s32 $0xD900  }
0xf: {  	s6 =	sor.u32 s6, s10;
	s9 =	sshrl.u32 s9, $0x3;
	[dreg:$0x7] =	wrdreg s1  }
0x10: {  	s24 =	sadd.s32 $0x1800, s8;
	s25 =	sadd.s32 $0x9800, s8;
	[dreg:$0x9] =	wrdreg s31  }
0x11: {  	s8 =	sadd.s32 $0x111900, s0;
	s26 =	sadd.s32 $0x1000, s1;
	[dreg:$0x5] =	wrdreg s24  }
0x12: {  	s6 =	sshrl.u32 s6, $0x3;
	s9 =	sor.u32 $0x10, s9;
	[dreg:$0x6] =	wrdreg s25  }
0x13: {  	[dreg:$0x8] =	wrdreg s26;
	s24 =	simm.s32 $0x12900;
	s25 =	simm.s32 $0x13100  }
0x14: {  	v2 =	vlaneseq.u32;
	s26 =	simm.s32 $0x13900;
	s6 =	sadd.s32 s7, s6;
	s23 =	sadd.s32 s7, s9  }
0x15: {  	vm0 =	vmmov $0xffff;
	v1 =	vshrl.u32 v2, $0x3;
	s9 =	sadd.s32 $0x111A00, s0;
	s7 =	simm.s32 $0xE900;
	[dreg:$0x3] =	wrdreg s6  }
0x16: {  	v0 =	vand.u32 $0x7, v2;
	v2 =	vor.u32 $0x8, v2;
	v1 =	vmul.u32 $0x8, v1;
	[dreg:$0x4] =	wrdreg s23;
	s6 =	simm.s32 $0xE100;
	s23 =	simm.s32 $0x12100  }
.LBB2_1:
0x17: {  	s0 =	rddreg [dreg:$0x3]  }
0x18: {  	[tilespmem:s2], [sflag:$0x3] =	stream.linear.gather [hbm4b:s0+s2], $0x40, $0x38;
	[tilespmem:$0x14100] =	vst v63  }
0x19: {  	_ =	swait.ge [sflag:s14], $0x40  }
0x1a: {  	[sflag:s14] =	ssyncset.done $0x0  }
0x1b: {  	s1 =	simm.s32 $0x80;
	s17 =	rddreg [dreg:$0x4];
	[sflag:s14] =	ssyncadd.s32 $0xFFFFFFC0  }
0x1c: {  	[tilespmem:s1], [sflag:$0x3] =	stream.linear.gather [hbm4b:s17+s2], $0x40, $0x38;
	[tilespmem:$0x14100] =	vst v63  }
0x1d: {  	_ =	swait.ge [sflag:s14], $0x40  }
0x1e: {  	[sflag:s14] =	ssyncset.done $0x0  }
0x1f: {  	s15 =	simm.s32 $0x100;
	s10 =	rddreg [dreg:$0x5];
	[sflag:s14] =	ssyncadd.s32 $0xFFFFFFC0  }
0x20: {  	[tilespmem:s15], [sflag:$0x3] =	stream.linear.gather [hbm4b:s10+s2], $0x2000, $0x38;
	[tilespmem:$0x14100] =	vst v63  }
0x21: {  	_ =	swait.ge [sflag:s14], $0x2000  }
0x22: {  	[sflag:s14] =	ssyncset.done $0x0  }
0x23: {  	s17 =	simm.s32 $0x2100;
	s16 =	rddreg [dreg:$0x6];
	[sflag:s14] =	ssyncadd.s32 $0xFFFFE000  }
0x24: {  	[tilespmem:s17], [sflag:$0x3] =	stream.linear.gather [hbm4b:s16+s2], $0x2000, $0x38;
	[tilespmem:$0x14100] =	vst v63  }
0x25: {  	_ =	swait.ge [sflag:s14], $0x2000  }
0x26: {  	[sflag:s14] =	ssyncset.done $0x0  }
0x27: {  	[sflag:s14] =	ssyncadd.s32 $0xFFFFE000  }
0x28: {  	v3 =	vld [tilespmem:$0x0];
	_ =	sdelay $0x4  }
0x29: {  	v4 =	vshll.u32 v3, $0x3  }
0x2a: {  	v3 =	vand.u32 $0x7, v3;
	v4 =	vand.u32 $0xFFFFFFC0, v4  }
0x2b: {  	v3 =	vor.u32 v3, v4  }
0x2c: {  	v4 =	vperm.xlane v3, v0;
	_ =	sdelay $0x1  }
0x2d: {  	v4 =	vadd.s32 v1, v4;
	_ =	sdelay $0x4  }
0x2e: {  	[tilespmem:s18], [sflag:$0x1] =	stream.indirect_vreg.gather [hbm4b:s3+s2], $0x80, v4, vm0, $0xb8;
	[tilespmem:$0x14100] =	vst v63  }
0x2f: {  	s10 =	simm.s32 $0x4900;
	v3 =	vperm.xlane v3, v2  }
0x30: {  	[tilespmem:s10], [sflag:$0x1] =	stream.indirect_vreg.gather [hbm4b:s8+s2], $0x80, v4, vm0, $0xb8;
	[tilespmem:$0x14100] =	vst v63  }
0x31: {  	s15 =	simm.s32 $0x5100;
	v3 =	vadd.s32 v1, v3  }
0x32: {  	[tilespmem:s15], [sflag:$0x1] =	stream.indirect_vreg.gather [hbm4b:s9+s2], $0x80, v4, vm0, $0xb8;
	[tilespmem:$0x14100] =	vst v63  }
0x33: {  	s16 =	simm.s32 $0x5900  }
0x34: {  	[tilespmem:s16], [sflag:$0x1] =	stream.indirect_vreg.gather [hbm4b:s11+s2], $0x80, v4, vm0, $0xb8;
	[tilespmem:$0x14100] =	vst v63  }
0x35: {  	s17 =	simm.s32 $0x6100  }
0x36: {  	[tilespmem:s17], [sflag:$0x1] =	stream.indirect_vreg.gather [hbm4b:s3+s2], $0x80, v3, vm0, $0xb8;
	[tilespmem:$0x14100] =	vst v63  }
0x37: {  	s1 =	simm.s32 $0x6900  }
0x38: {  	[tilespmem:s1], [sflag:$0x1] =	stream.indirect_vreg.gather [hbm4b:s8+s2], $0x80, v3, vm0, $0xb8;
	[tilespmem:$0x14100] =	vst v63  }
0x39: {  	s10 =	simm.s32 $0x7100  }
0x3a: {  	[tilespmem:s10], [sflag:$0x1] =	stream.indirect_vreg.gather [hbm4b:s9+s2], $0x80, v3, vm0, $0xb8;
	[tilespmem:$0x14100] =	vst v63  }
0x3b: {  	s15 =	simm.s32 $0x7900  }
0x3c: {  	[tilespmem:s15], [sflag:$0x1] =	stream.indirect_vreg.gather [hbm4b:s11+s2], $0x80, v3, vm0, $0xb8;
	[tilespmem:$0x14100] =	vst v63  }
0x3d: {  	v3 =	vld [tilespmem:$0x10];
	_ =	sdelay $0x4  }
0x3e: {  	v4 =	vshll.u32 v3, $0x3  }
0x3f: {  	v3 =	vand.u32 $0x7, v3;
	v4 =	vand.u32 $0xFFFFFFC0, v4  }
0x40: {  	v3 =	vor.u32 v3, v4  }
0x41: {  	v4 =	vperm.xlane v3, v0;
	_ =	sdelay $0x1  }
0x42: {  	v4 =	vadd.s32 v1, v4;
	_ =	sdelay $0x3  }
0x43: {  	s16 =	simm.s32 $0x8100  }
0x44: {  	[tilespmem:s16], [sflag:$0x1] =	stream.indirect_vreg.gather [hbm4b:s3+s2], $0x80, v4, vm0, $0xb8;
	[tilespmem:$0x14100] =	vst v63  }
0x45: {  	s17 =	simm.s32 $0x8900;
	v3 =	vperm.xlane v3, v2  }
0x46: {  	[tilespmem:s17], [sflag:$0x1] =	stream.indirect_vreg.gather [hbm4b:s8+s2], $0x80, v4, vm0, $0xb8;
	[tilespmem:$0x14100] =	vst v63  }
0x47: {  	s1 =	simm.s32 $0x9100;
	v3 =	vadd.s32 v1, v3  }
0x48: {  	[tilespmem:s1], [sflag:$0x1] =	stream.indirect_vreg.gather [hbm4b:s9+s2], $0x80, v4, vm0, $0xb8;
	[tilespmem:$0x14100] =	vst v63  }
0x49: {  	s10 =	simm.s32 $0x9900  }
0x4a: {  	[tilespmem:s10], [sflag:$0x1] =	stream.indirect_vreg.gather [hbm4b:s11+s2], $0x80, v4, vm0, $0xb8;
	[tilespmem:$0x14100] =	vst v63  }
0x4b: {  	s15 =	simm.s32 $0xA100  }
0x4c: {  	[tilespmem:s15], [sflag:$0x1] =	stream.indirect_vreg.gather [hbm4b:s3+s2], $0x80, v3, vm0, $0xb8;
	[tilespmem:$0x14100] =	vst v63  }
0x4d: {  	s16 =	simm.s32 $0xA900  }
0x4e: {  	[tilespmem:s16], [sflag:$0x1] =	stream.indirect_vreg.gather [hbm4b:s8+s2], $0x80, v3, vm0, $0xb8;
	[tilespmem:$0x14100] =	vst v63  }
0x4f: {  	s17 =	simm.s32 $0xB100  }
0x50: {  	[tilespmem:s17], [sflag:$0x1] =	stream.indirect_vreg.gather [hbm4b:s9+s2], $0x80, v3, vm0, $0xb8;
	[tilespmem:$0x14100] =	vst v63  }
0x51: {  	s1 =	simm.s32 $0xB900  }
0x52: {  	[tilespmem:s1], [sflag:$0x1] =	stream.indirect_vreg.gather [hbm4b:s11+s2], $0x80, v3, vm0, $0xb8;
	[tilespmem:$0x14100] =	vst v63  }
0x53: {  	v3 =	vld [tilespmem:$0x80];
	_ =	sdelay $0x4  }
0x54: {  	v4 =	vshll.u32 v3, $0x3  }
0x55: {  	v3 =	vand.u32 $0x7, v3;
	v4 =	vand.u32 $0xFFFFFFC0, v4  }
0x56: {  	v3 =	vor.u32 v3, v4  }
0x57: {  	v4 =	vperm.xlane v3, v0;
	_ =	sdelay $0x1  }
0x58: {  	v4 =	vadd.s32 v1, v4;
	_ =	sdelay $0x3  }
0x59: {  	s10 =	simm.s32 $0xC100  }
0x5a: {  	[tilespmem:s10], [sflag:$0x2] =	stream.indirect_vreg.gather [hbm4b:s3+s2], $0x80, v4, vm0, $0xb8;
	[tilespmem:$0x14100] =	vst v63  }
0x5b: {  	s15 =	simm.s32 $0xC900;
	v3 =	vperm.xlane v3, v2  }
0x5c: {  	[tilespmem:s15], [sflag:$0x2] =	stream.indirect_vreg.gather [hbm4b:s8+s2], $0x80, v4, vm0, $0xb8;
	[tilespmem:$0x14100] =	vst v63  }
0x5d: {  	v3 =	vadd.s32 v1, v3  }
0x5e: {  	[tilespmem:s4], [sflag:$0x2] =	stream.indirect_vreg.gather [hbm4b:s9+s2], $0x80, v4, vm0, $0xb8;
	[tilespmem:$0x14100] =	vst v63  }
0x5f: {  	_ = 	snop  }
0x60: {  	[tilespmem:s5], [sflag:$0x2] =	stream.indirect_vreg.gather [hbm4b:s11+s2], $0x80, v4, vm0, $0xb8;
	[tilespmem:$0x14100] =	vst v63  }
0x61: {  	_ = 	snop  }
0x62: {  	[tilespmem:s6], [sflag:$0x2] =	stream.indirect_vreg.gather [hbm4b:s3+s2], $0x80, v3, vm0, $0xb8;
	[tilespmem:$0x14100] =	vst v63  }
0x63: {  	_ = 	snop  }
0x64: {  	[tilespmem:s7], [sflag:$0x2] =	stream.indirect_vreg.gather [hbm4b:s8+s2], $0x80, v3, vm0, $0xb8;
	[tilespmem:$0x14100] =	vst v63  }
0x65: {  	_ = 	snop  }
0x66: {  	[tilespmem:s19], [sflag:$0x2] =	stream.indirect_vreg.gather [hbm4b:s9+s2], $0x80, v3, vm0, $0xb8;
	[tilespmem:$0x14100] =	vst v63  }
0x67: {  	_ = 	snop  }
0x68: {  	[tilespmem:s20], [sflag:$0x2] =	stream.indirect_vreg.gather [hbm4b:s11+s2], $0x80, v3, vm0, $0xb8;
	[tilespmem:$0x14100] =	vst v63  }
0x69: {  	v3 =	vld [tilespmem:$0x90];
	_ =	sdelay $0x4  }
0x6a: {  	v4 =	vshll.u32 v3, $0x3  }
0x6b: {  	v3 =	vand.u32 $0x7, v3;
	v4 =	vand.u32 $0xFFFFFFC0, v4  }
0x6c: {  	v3 =	vor.u32 v3, v4  }
0x6d: {  	v4 =	vperm.xlane v3, v0;
	_ =	sdelay $0x1  }
0x6e: {  	v4 =	vadd.s32 v1, v4;
	_ =	sdelay $0x4  }
0x6f: {  	[tilespmem:s12], [sflag:$0x2] =	stream.indirect_vreg.gather [hbm4b:s3+s2], $0x80, v4, vm0, $0xb8;
	[tilespmem:$0x14100] =	vst v63  }
0x70: {  	v3 =	vperm.xlane v3, v2  }
0x71: {  	[tilespmem:s21], [sflag:$0x2] =	stream.indirect_vreg.gather [hbm4b:s8+s2], $0x80, v4, vm0, $0xb8;
	[tilespmem:$0x14100] =	vst v63  }
0x72: {  	v3 =	vadd.s32 v1, v3  }
0x73: {  	[tilespmem:s13], [sflag:$0x2] =	stream.indirect_vreg.gather [hbm4b:s9+s2], $0x80, v4, vm0, $0xb8;
	[tilespmem:$0x14100] =	vst v63  }
0x74: {  	_ = 	snop  }
0x75: {  	[tilespmem:s22], [sflag:$0x2] =	stream.indirect_vreg.gather [hbm4b:s11+s2], $0x80, v4, vm0, $0xb8;
	[tilespmem:$0x14100] =	vst v63  }
0x76: {  	_ = 	snop  }
0x77: {  	[tilespmem:s23], [sflag:$0x2] =	stream.indirect_vreg.gather [hbm4b:s3+s2], $0x80, v3, vm0, $0xb8;
	[tilespmem:$0x14100] =	vst v63  }
0x78: {  	_ = 	snop  }
0x79: {  	[tilespmem:s24], [sflag:$0x2] =	stream.indirect_vreg.gather [hbm4b:s8+s2], $0x80, v3, vm0, $0xb8;
	[tilespmem:$0x14100] =	vst v63  }
0x7a: {  	_ = 	snop  }
0x7b: {  	[tilespmem:s25], [sflag:$0x2] =	stream.indirect_vreg.gather [hbm4b:s9+s2], $0x80, v3, vm0, $0xb8;
	[tilespmem:$0x14100] =	vst v63  }
0x7c: {  	_ = 	snop  }
0x7d: {  	[tilespmem:s26], [sflag:$0x2] =	stream.indirect_vreg.gather [hbm4b:s11+s2], $0x80, v3, vm0, $0xb8;
	[tilespmem:$0x14100] =	vst v63  }
0x7e: {  	_ =	swait.ge [sflag:s28], $0x8000  }
0x7f: {  	[sflag:s28] =	ssyncset.done $0x0  }
0x80: {  	[sflag:s28] =	ssyncadd.s32 $0xFFFF8000  }
0x81: {  	s16 =	simm.s32 $0x0;
	_ =	swait.ge [sflag:s29], $0x8000  }
0x82: {  	s31 =	sand.u32 $0xFFFFFF80, s16;
	s17 =	simm.s32 $0x0;
	[sflag:s29] =	ssyncset.done $0x0  }
0x83: {  	s1 =	sand.u32 $0x6000, s17;
	s15 =	sand.u32 $0x1C00, s2;
	[sflag:s29] =	ssyncadd.s32 $0xFFFF8000  }
0x84: {  	s0 =	sand.u32 $0x380, s16;
	s1 =	sor.u32 s15, s1;
	v3 =	vld [tilespmem:s31+$0x100]  }
0x85: {  	v4 =	vld [tilespmem:s31+$0x2100];
	s31 =	sor.u32 s0, s1  }
0x86: {  	v5 =	vld [tilespmem:s31+$0x4170]  }
0x87: {  	v6 =	vld [tilespmem:s31+$0xC170]  }
0x88: {  	v7 =	vld [tilespmem:s31+$0x4100]  }
0x89: {  	v8 =	vld [tilespmem:s31+$0xC100]  }
0x8a: {  	v10 =	vld [tilespmem:s31+$0x4110]  }
0x8b: {  	v11 =	vld [tilespmem:s31+$0xC110]  }
0x8c: {  	v12 =	vld [tilespmem:s31+$0x4120]  }
0x8d: {  	v13 =	vld [tilespmem:s31+$0xC120];
	v5 =	vmul.f32 v5, v3;
	v6 =	vmul.f32 v6, v4  }
0x8e: {  	v9 =	vld [tilespmem:s31+$0x4130];
	v7 =	vmul.f32 v7, v3;
	v14 =	vmul.f32 v8, v4  }
0x8f: {  	v8 =	vld [tilespmem:s31+$0xC130];
	v5 =	vadd.f32 v6, v5  }
0x90: {  	v15 =	vmul.f32 v10, v3;
	v11 =	vmul.f32 v11, v4;
	v7 =	vadd.f32 v14, v7;
	v6 =	vld [tilespmem:s31+$0x4140]  }
0x91: {  	[tilespmem:s31+$0x4170] =	vst v5;
	v5 =	vld [tilespmem:s31+$0xC140]  }
0x92: {  	s0 =	simm.s32 $0x0;
	s1 =	simm.s32 $0x0;
	v10 =	vmul.f32 v12, v3;
	v12 =	vmul.f32 v13, v4;
	v11 =	vadd.f32 v11, v15;
	[tilespmem:s31+$0x4100] =	vst v7;
	v7 =	vld [tilespmem:s31+$0x4150]  }
.LBB2_2:
0x93: {  	s0 =	sadd.s32 $0x8, s0;
	v9 =	vmul.f32 v9, v3;
	v13 =	vld [tilespmem:s31+$0xC150]  }
0x94: {  	s1 =	sadd.s32 $0x400, s1;
	s15 =	sshll.u32 s0, $0x1;
	s10 =	sshll.u32 s0, $0x4;
	[tilespmem:s31+$0x4110] =	vst v11;
	v10 =	vadd.f32 v12, v10;
	v8 =	vmul.f32 v8, v4;
	v11 =	vld [tilespmem:s31+$0x4160]  }
0x95: {  	s17 =	sand.u32 $0x1C00, s1;
	s16 =	sand.u32 $0xFFFFFF80, s15;
	s10 =	sand.u32 $0x6000, s10;
	v6 =	vmul.f32 v6, v3;
	v12 =	vld [tilespmem:s31+$0xC160]  }
0x96: {  	p0 =	slt.u32 s0, $0x7F8;
	s15 =	sand.u32 $0x380, s15;
	v14 =	vld [tilespmem:s16+$0x100];
	s10 =	sor.u32 s17, s10;
	[tilespmem:s31+$0x4120] =	vst v10;
	v8 =	vadd.f32 v8, v9;
	v5 =	vmul.f32 v5, v4  }
0x97: {  	v9 =	vld [tilespmem:s16+$0x2100];
	s10 =	sor.u32 s15, s10;
	v7 =	vmul.f32 v7, v3  }
0x98: {  	v10 =	vld [tilespmem:s10+$0x4170];
	[tilespmem:s31+$0x4130] =	vst v8;
	v5 =	vadd.f32 v5, v6;
	v6 =	vmul.f32 v13, v4  }
0x99: {  	v8 =	vld [tilespmem:s10+$0xC170];
	v11 =	vmul.f32 v11, v3  }
0x9a: {  	v13 =	vld [tilespmem:s10+$0x4100];
	[tilespmem:s31+$0x4140] =	vst v5;
	v5 =	vadd.f32 v6, v7;
	v12 =	vmul.f32 v12, v4  }
0x9b: {  	v6 =	vld [tilespmem:s10+$0xC100];
	v3 =	vmov v14  }
0x9c: {  	v7 =	vld [tilespmem:s10+$0x4110];
	[tilespmem:s31+$0x4150] =	vst v5;
	v5 =	vadd.f32 v12, v11;
	v4 =	vmov v9  }
0x9d: {  	v11 =	vld [tilespmem:s10+$0xC110]  }
0x9e: {  	v10 =	vmul.f32 v10, v3;
	v12 =	vld [tilespmem:s10+$0x4120];
	v8 =	vmul.f32 v8, v4;
	[tilespmem:s31+$0x4160] =	vst v5;
	s31 =	smov.u32 s10  }
0x9f: {  	v5 =	vmul.f32 v13, v3;
	v13 =	vld [tilespmem:s31+$0xC120]  }
.Ltmp0:
0xa0: {  	v6 =	vmul.f32 v6, v4;
	v9 =	vld [tilespmem:s31+$0x4130];
	v10 =	vadd.f32 v8, v10;
	(pc) =	sbr.rel @p0 .LBB2_2-.Ltmp0, $4  }
0xa1: {  	v7 =	vmul.f32 v7, v3;
	v8 =	vld [tilespmem:s31+$0xC130]  }
0xa2: {  	v14 =	vadd.f32 v6, v5;
	v11 =	vmul.f32 v11, v4;
	v6 =	vld [tilespmem:s31+$0x4140];
	[tilespmem:s31+$0x4170] =	vst v10  }
0xa3: {  	v10 =	vmul.f32 v12, v3;
	v5 =	vld [tilespmem:s31+$0xC140]  }
0xa4: {  	[tilespmem:s31+$0x4100] =	vst v14;
	v11 =	vadd.f32 v11, v7;
	v12 =	vmul.f32 v13, v4;
	v7 =	vld [tilespmem:s31+$0x4150]  }
0xa5: {  	v13 =	vld [tilespmem:s31+$0xC150]  }
0xa6: {  	v14 =	vld [tilespmem:s31+$0x4160]  }
0xa7: {  	v15 =	vld [tilespmem:s31+$0xC160];
	_ =	sdelay $0x1  }
0xa8: {  	v9 =	vmul.f32 v9, v3;
	v8 =	vmul.f32 v8, v4  }
0xa9: {  	v10 =	vadd.f32 v12, v10;
	v6 =	vmul.f32 v6, v3;
	v5 =	vmul.f32 v5, v4  }
0xaa: {  	[tilespmem:s31+$0x4110] =	vst v11;
	v8 =	vadd.f32 v8, v9;
	v7 =	vmul.f32 v7, v3;
	v9 =	vmul.f32 v13, v4  }
0xab: {  	[tilespmem:s31+$0x4120] =	vst v10;
	v5 =	vadd.f32 v5, v6;
	v3 =	vmul.f32 v14, v3;
	v4 =	vmul.f32 v15, v4  }
0xac: {  	[tilespmem:s31+$0x4130] =	vst v8;
	v6 =	vadd.f32 v9, v7  }
0xad: {  	[tilespmem:s31+$0x4140] =	vst v5;
	v3 =	vadd.f32 v4, v3  }
0xae: {  	[tilespmem:s31+$0x4150] =	vst v6  }
0xaf: {  	[tilespmem:s31+$0x4160] =	vst v3  }
0xb0: {  	s31 =	simm.s32 $0x0;
	s0 =	rddreg [dreg:$0x7]  }
0xb1: {  	[hbm4b:s0+s31] =	stream.linear.scatter [tilespmem:s18], [sflag:$0x3], $0x8000, $0x38;
	[tilespmem:$0x14100] =	vst v63  }
0xb2: {  	_ =	swait.ge [sflag:s14], $0x8000  }
0xb3: {  	[sflag:s14] =	ssyncset.done $0x0  }
0xb4: {  	[sflag:s14] =	ssyncadd.s32 $0xFFFF8000  }
0xb5: {  	v3 =	vld [tilespmem:$0x20];
	_ =	sdelay $0x4  }
0xb6: {  	v4 =	vshll.u32 v3, $0x3  }
0xb7: {  	v3 =	vand.u32 $0x7, v3;
	v4 =	vand.u32 $0xFFFFFFC0, v4  }
0xb8: {  	v3 =	vor.u32 v3, v4  }
0xb9: {  	v4 =	vperm.xlane v3, v0;
	_ =	sdelay $0x1  }
0xba: {  	v4 =	vadd.s32 v1, v4;
	_ =	sdelay $0x4  }
0xbb: {  	[tilespmem:s18], [sflag:$0x1] =	stream.indirect_vreg.gather [hbm4b:s3+s31], $0x80, v4, vm0, $0xb8;
	[tilespmem:$0x14100] =	vst v63  }
0xbc: {  	s15 =	simm.s32 $0x4900;
	v3 =	vperm.xlane v3, v2  }
0xbd: {  	[tilespmem:s15], [sflag:$0x1] =	stream.indirect_vreg.gather [hbm4b:s8+s31], $0x80, v4, vm0, $0xb8;
	[tilespmem:$0x14100] =	vst v63  }
0xbe: {  	s16 =	simm.s32 $0x5100;
	v3 =	vadd.s32 v1, v3  }
0xbf: {  	[tilespmem:s16], [sflag:$0x1] =	stream.indirect_vreg.gather [hbm4b:s9+s31], $0x80, v4, vm0, $0xb8;
	[tilespmem:$0x14100] =	vst v63  }
0xc0: {  	s17 =	simm.s32 $0x5900  }
0xc1: {  	[tilespmem:s17], [sflag:$0x1] =	stream.indirect_vreg.gather [hbm4b:s11+s31], $0x80, v4, vm0, $0xb8;
	[tilespmem:$0x14100] =	vst v63  }
0xc2: {  	s1 =	simm.s32 $0x6100  }
0xc3: {  	[tilespmem:s1], [sflag:$0x1] =	stream.indirect_vreg.gather [hbm4b:s3+s31], $0x80, v3, vm0, $0xb8;
	[tilespmem:$0x14100] =	vst v63  }
0xc4: {  	s10 =	simm.s32 $0x6900  }
0xc5: {  	[tilespmem:s10], [sflag:$0x1] =	stream.indirect_vreg.gather [hbm4b:s8+s31], $0x80, v3, vm0, $0xb8;
	[tilespmem:$0x14100] =	vst v63  }
0xc6: {  	s15 =	simm.s32 $0x7100  }
0xc7: {  	[tilespmem:s15], [sflag:$0x1] =	stream.indirect_vreg.gather [hbm4b:s9+s31], $0x80, v3, vm0, $0xb8;
	[tilespmem:$0x14100] =	vst v63  }
0xc8: {  	s16 =	simm.s32 $0x7900  }
0xc9: {  	[tilespmem:s16], [sflag:$0x1] =	stream.indirect_vreg.gather [hbm4b:s11+s31], $0x80, v3, vm0, $0xb8;
	[tilespmem:$0x14100] =	vst v63  }
0xca: {  	v3 =	vld [tilespmem:$0x30];
	_ =	sdelay $0x4  }
0xcb: {  	v4 =	vshll.u32 v3, $0x3  }
0xcc: {  	v3 =	vand.u32 $0x7, v3;
	v4 =	vand.u32 $0xFFFFFFC0, v4  }
0xcd: {  	v3 =	vor.u32 v3, v4  }
0xce: {  	v4 =	vperm.xlane v3, v0;
	_ =	sdelay $0x1  }
0xcf: {  	v4 =	vadd.s32 v1, v4;
	_ =	sdelay $0x3  }
0xd0: {  	s17 =	simm.s32 $0x8100  }
0xd1: {  	[tilespmem:s17], [sflag:$0x1] =	stream.indirect_vreg.gather [hbm4b:s3+s31], $0x80, v4, vm0, $0xb8;
	[tilespmem:$0x14100] =	vst v63  }
0xd2: {  	s1 =	simm.s32 $0x8900;
	v3 =	vperm.xlane v3, v2  }
0xd3: {  	[tilespmem:s1], [sflag:$0x1] =	stream.indirect_vreg.gather [hbm4b:s8+s31], $0x80, v4, vm0, $0xb8;
	[tilespmem:$0x14100] =	vst v63  }
0xd4: {  	s10 =	simm.s32 $0x9100;
	v3 =	vadd.s32 v1, v3  }
0xd5: {  	[tilespmem:s10], [sflag:$0x1] =	stream.indirect_vreg.gather [hbm4b:s9+s31], $0x80, v4, vm0, $0xb8;
	[tilespmem:$0x14100] =	vst v63  }
0xd6: {  	s15 =	simm.s32 $0x9900  }
0xd7: {  	[tilespmem:s15], [sflag:$0x1] =	stream.indirect_vreg.gather [hbm4b:s11+s31], $0x80, v4, vm0, $0xb8;
	[tilespmem:$0x14100] =	vst v63  }
0xd8: {  	s16 =	simm.s32 $0xA100  }
0xd9: {  	[tilespmem:s16], [sflag:$0x1] =	stream.indirect_vreg.gather [hbm4b:s3+s31], $0x80, v3, vm0, $0xb8;
	[tilespmem:$0x14100] =	vst v63  }
0xda: {  	s17 =	simm.s32 $0xA900  }
0xdb: {  	[tilespmem:s17], [sflag:$0x1] =	stream.indirect_vreg.gather [hbm4b:s8+s31], $0x80, v3, vm0, $0xb8;
	[tilespmem:$0x14100] =	vst v63  }
0xdc: {  	s1 =	simm.s32 $0xB100  }
0xdd: {  	[tilespmem:s1], [sflag:$0x1] =	stream.indirect_vreg.gather [hbm4b:s9+s31], $0x80, v3, vm0, $0xb8;
	[tilespmem:$0x14100] =	vst v63  }
0xde: {  	s10 =	simm.s32 $0xB900  }
0xdf: {  	[tilespmem:s10], [sflag:$0x1] =	stream.indirect_vreg.gather [hbm4b:s11+s31], $0x80, v3, vm0, $0xb8;
	[tilespmem:$0x14100] =	vst v63  }
0xe0: {  	v3 =	vld [tilespmem:$0xA0];
	_ =	sdelay $0x4  }
0xe1: {  	v4 =	vshll.u32 v3, $0x3  }
0xe2: {  	v3 =	vand.u32 $0x7, v3;
	v4 =	vand.u32 $0xFFFFFFC0, v4  }
0xe3: {  	v3 =	vor.u32 v3, v4  }
0xe4: {  	v4 =	vperm.xlane v3, v0;
	_ =	sdelay $0x1  }
0xe5: {  	v4 =	vadd.s32 v1, v4;
	_ =	sdelay $0x3  }
0xe6: {  	s15 =	simm.s32 $0xC100  }
0xe7: {  	[tilespmem:s15], [sflag:$0x2] =	stream.indirect_vreg.gather [hbm4b:s3+s31], $0x80, v4, vm0, $0xb8;
	[tilespmem:$0x14100] =	vst v63  }
0xe8: {  	s16 =	simm.s32 $0xC900;
	v3 =	vperm.xlane v3, v2  }
0xe9: {  	[tilespmem:s16], [sflag:$0x2] =	stream.indirect_vreg.gather [hbm4b:s8+s31], $0x80, v4, vm0, $0xb8;
	[tilespmem:$0x14100] =	vst v63  }
0xea: {  	v3 =	vadd.s32 v1, v3  }
0xeb: {  	[tilespmem:s4], [sflag:$0x2] =	stream.indirect_vreg.gather [hbm4b:s9+s31], $0x80, v4, vm0, $0xb8;
	[tilespmem:$0x14100] =	vst v63  }
0xec: {  	_ = 	snop  }
0xed: {  	[tilespmem:s5], [sflag:$0x2] =	stream.indirect_vreg.gather [hbm4b:s11+s31], $0x80, v4, vm0, $0xb8;
	[tilespmem:$0x14100] =	vst v63  }
0xee: {  	_ = 	snop  }
0xef: {  	[tilespmem:s6], [sflag:$0x2] =	stream.indirect_vreg.gather [hbm4b:s3+s31], $0x80, v3, vm0, $0xb8;
	[tilespmem:$0x14100] =	vst v63  }
0xf0: {  	_ = 	snop  }
0xf1: {  	[tilespmem:s7], [sflag:$0x2] =	stream.indirect_vreg.gather [hbm4b:s8+s31], $0x80, v3, vm0, $0xb8;
	[tilespmem:$0x14100] =	vst v63  }
0xf2: {  	_ = 	snop  }
0xf3: {  	[tilespmem:s19], [sflag:$0x2] =	stream.indirect_vreg.gather [hbm4b:s9+s31], $0x80, v3, vm0, $0xb8;
	[tilespmem:$0x14100] =	vst v63  }
0xf4: {  	_ = 	snop  }
0xf5: {  	[tilespmem:s20], [sflag:$0x2] =	stream.indirect_vreg.gather [hbm4b:s11+s31], $0x80, v3, vm0, $0xb8;
	[tilespmem:$0x14100] =	vst v63  }
0xf6: {  	v3 =	vld [tilespmem:$0xB0];
	_ =	sdelay $0x4  }
0xf7: {  	v4 =	vshll.u32 v3, $0x3  }
0xf8: {  	v3 =	vand.u32 $0x7, v3;
	v4 =	vand.u32 $0xFFFFFFC0, v4  }
0xf9: {  	v3 =	vor.u32 v3, v4  }
0xfa: {  	v4 =	vperm.xlane v3, v0;
	_ =	sdelay $0x1  }
0xfb: {  	v4 =	vadd.s32 v1, v4;
	_ =	sdelay $0x4  }
0xfc: {  	[tilespmem:s12], [sflag:$0x2] =	stream.indirect_vreg.gather [hbm4b:s3+s31], $0x80, v4, vm0, $0xb8;
	[tilespmem:$0x14100] =	vst v63  }
0xfd: {  	v3 =	vperm.xlane v3, v2  }
0xfe: {  	[tilespmem:s21], [sflag:$0x2] =	stream.indirect_vreg.gather [hbm4b:s8+s31], $0x80, v4, vm0, $0xb8;
	[tilespmem:$0x14100] =	vst v63  }
0xff: {  	v3 =	vadd.s32 v1, v3  }
0x100: {  	[tilespmem:s13], [sflag:$0x2] =	stream.indirect_vreg.gather [hbm4b:s9+s31], $0x80, v4, vm0, $0xb8;
	[tilespmem:$0x14100] =	vst v63  }
0x101: {  	_ = 	snop  }
0x102: {  	[tilespmem:s22], [sflag:$0x2] =	stream.indirect_vreg.gather [hbm4b:s11+s31], $0x80, v4, vm0, $0xb8;
	[tilespmem:$0x14100] =	vst v63  }
0x103: {  	_ = 	snop  }
0x104: {  	[tilespmem:s23], [sflag:$0x2] =	stream.indirect_vreg.gather [hbm4b:s3+s31], $0x80, v3, vm0, $0xb8;
	[tilespmem:$0x14100] =	vst v63  }
0x105: {  	_ = 	snop  }
0x106: {  	[tilespmem:s24], [sflag:$0x2] =	stream.indirect_vreg.gather [hbm4b:s8+s31], $0x80, v3, vm0, $0xb8;
	[tilespmem:$0x14100] =	vst v63  }
0x107: {  	_ = 	snop  }
0x108: {  	[tilespmem:s25], [sflag:$0x2] =	stream.indirect_vreg.gather [hbm4b:s9+s31], $0x80, v3, vm0, $0xb8;
	[tilespmem:$0x14100] =	vst v63  }
0x109: {  	_ = 	snop  }
0x10a: {  	[tilespmem:s26], [sflag:$0x2] =	stream.indirect_vreg.gather [hbm4b:s11+s31], $0x80, v3, vm0, $0xb8;
	[tilespmem:$0x14100] =	vst v63  }
0x10b: {  	_ =	swait.ge [sflag:s28], $0x8000  }
0x10c: {  	[sflag:s28] =	ssyncset.done $0x0  }
0x10d: {  	[sflag:s28] =	ssyncadd.s32 $0xFFFF8000  }
0x10e: {  	s1 =	simm.s32 $0x0;
	_ =	swait.ge [sflag:s29], $0x8000  }
0x10f: {  	s17 =	simm.s32 $0x0;
	s1 =	sand.u32 $0x6000, s1;
	[sflag:s29] =	ssyncset.done $0x0  }
0x110: {  	s10 =	sand.u32 $0xFFFFFF80, s17;
	s15 =	sand.u32 $0x1C00, s31;
	[sflag:s29] =	ssyncadd.s32 $0xFFFF8000  }
0x111: {  	s0 =	sand.u32 $0x380, s17;
	s1 =	sor.u32 s15, s1;
	v3 =	vld [tilespmem:s10+$0x1100]  }
0x112: {  	s0 =	sor.u32 s0, s1;
	v4 =	vld [tilespmem:s10+$0x3100]  }
0x113: {  	v5 =	vld [tilespmem:s0+$0x4170]  }
0x114: {  	v6 =	vld [tilespmem:s0+$0xC170]  }
0x115: {  	v7 =	vld [tilespmem:s0+$0x4100]  }
0x116: {  	v8 =	vld [tilespmem:s0+$0xC100]  }
0x117: {  	v10 =	vld [tilespmem:s0+$0x4110]  }
0x118: {  	v11 =	vld [tilespmem:s0+$0xC110]  }
0x119: {  	v12 =	vld [tilespmem:s0+$0x4120]  }
0x11a: {  	v13 =	vld [tilespmem:s0+$0xC120];
	v5 =	vmul.f32 v5, v3;
	v6 =	vmul.f32 v6, v4  }
0x11b: {  	v9 =	vld [tilespmem:s0+$0x4130];
	v7 =	vmul.f32 v7, v3;
	v14 =	vmul.f32 v8, v4  }
0x11c: {  	v8 =	vld [tilespmem:s0+$0xC130];
	v5 =	vadd.f32 v6, v5  }
0x11d: {  	v15 =	vmul.f32 v10, v3;
	v11 =	vmul.f32 v11, v4;
	v7 =	vadd.f32 v14, v7;
	v6 =	vld [tilespmem:s0+$0x4140]  }
0x11e: {  	[tilespmem:s0+$0x4170] =	vst v5;
	v5 =	vld [tilespmem:s0+$0xC140]  }
0x11f: {  	s1 =	simm.s32 $0x0;
	v10 =	vmul.f32 v12, v3;
	v12 =	vmul.f32 v13, v4;
	v11 =	vadd.f32 v11, v15;
	[tilespmem:s0+$0x4100] =	vst v7;
	v7 =	vld [tilespmem:s0+$0x4150]  }
.LBB2_4:
0x120: {  	s1 =	sadd.s32 $0x8, s1;
	v9 =	vmul.f32 v9, v3;
	v13 =	vld [tilespmem:s0+$0xC150]  }
0x121: {  	s31 =	sadd.s32 $0x400, s31;
	s10 =	sshll.u32 s1, $0x1;
	s15 =	sshll.u32 s1, $0x4;
	[tilespmem:s0+$0x4110] =	vst v11;
	v10 =	vadd.f32 v12, v10;
	v8 =	vmul.f32 v8, v4;
	v11 =	vld [tilespmem:s0+$0x4160]  }
0x122: {  	s17 =	sand.u32 $0x1C00, s31;
	s16 =	sand.u32 $0xFFFFFF80, s10;
	s15 =	sand.u32 $0x6000, s15;
	v6 =	vmul.f32 v6, v3;
	v12 =	vld [tilespmem:s0+$0xC160]  }
0x123: {  	p0 =	slt.u32 s1, $0x7F8;
	s10 =	sand.u32 $0x380, s10;
	v14 =	vld [tilespmem:s16+$0x1100];
	s15 =	sor.u32 s17, s15;
	[tilespmem:s0+$0x4120] =	vst v10;
	v8 =	vadd.f32 v8, v9;
	v5 =	vmul.f32 v5, v4  }
0x124: {  	v9 =	vld [tilespmem:s16+$0x3100];
	s10 =	sor.u32 s10, s15;
	v7 =	vmul.f32 v7, v3  }
0x125: {  	v10 =	vld [tilespmem:s10+$0x4170];
	[tilespmem:s0+$0x4130] =	vst v8;
	v5 =	vadd.f32 v5, v6;
	v6 =	vmul.f32 v13, v4  }
0x126: {  	v8 =	vld [tilespmem:s10+$0xC170];
	v11 =	vmul.f32 v11, v3  }
0x127: {  	v13 =	vld [tilespmem:s10+$0x4100];
	[tilespmem:s0+$0x4140] =	vst v5;
	v5 =	vadd.f32 v6, v7;
	v12 =	vmul.f32 v12, v4  }
0x128: {  	v6 =	vld [tilespmem:s10+$0xC100];
	v3 =	vmov v14  }
0x129: {  	v7 =	vld [tilespmem:s10+$0x4110];
	[tilespmem:s0+$0x4150] =	vst v5;
	v5 =	vadd.f32 v12, v11;
	v4 =	vmov v9  }
0x12a: {  	v11 =	vld [tilespmem:s10+$0xC110]  }
0x12b: {  	v10 =	vmul.f32 v10, v3;
	v12 =	vld [tilespmem:s10+$0x4120];
	v8 =	vmul.f32 v8, v4;
	[tilespmem:s0+$0x4160] =	vst v5;
	s0 =	smov.u32 s10  }
0x12c: {  	v5 =	vmul.f32 v13, v3;
	v13 =	vld [tilespmem:s0+$0xC120]  }
.Ltmp1:
0x12d: {  	v6 =	vmul.f32 v6, v4;
	v9 =	vld [tilespmem:s0+$0x4130];
	v10 =	vadd.f32 v8, v10;
	(pc) =	sbr.rel @p0 .LBB2_4-.Ltmp1, $4  }
0x12e: {  	v7 =	vmul.f32 v7, v3;
	v8 =	vld [tilespmem:s0+$0xC130]  }
0x12f: {  	v14 =	vadd.f32 v6, v5;
	v11 =	vmul.f32 v11, v4;
	v6 =	vld [tilespmem:s0+$0x4140];
	[tilespmem:s0+$0x4170] =	vst v10  }
0x130: {  	v10 =	vmul.f32 v12, v3;
	v5 =	vld [tilespmem:s0+$0xC140]  }
0x131: {  	[tilespmem:s0+$0x4100] =	vst v14;
	v11 =	vadd.f32 v11, v7;
	v12 =	vmul.f32 v13, v4;
	v7 =	vld [tilespmem:s0+$0x4150]  }
0x132: {  	v13 =	vld [tilespmem:s0+$0xC150]  }
0x133: {  	v14 =	vld [tilespmem:s0+$0x4160]  }
0x134: {  	v15 =	vld [tilespmem:s0+$0xC160];
	_ =	sdelay $0x1  }
0x135: {  	v9 =	vmul.f32 v9, v3;
	v8 =	vmul.f32 v8, v4  }
0x136: {  	v10 =	vadd.f32 v12, v10;
	v6 =	vmul.f32 v6, v3;
	v5 =	vmul.f32 v5, v4  }
0x137: {  	[tilespmem:s0+$0x4110] =	vst v11;
	v8 =	vadd.f32 v8, v9;
	v7 =	vmul.f32 v7, v3;
	v61 =	vmul.f32 v13, v4  }
0x138: {  	[tilespmem:s0+$0x4120] =	vst v10;
	v5 =	vadd.f32 v5, v6;
	v3 =	vmul.f32 v14, v3;
	v62 =	vmul.f32 v15, v4  }
0x139: {  	[tilespmem:s0+$0x4130] =	vst v8;
	v63 =	vadd.f32 v61, v7  }
0x13a: {  	[tilespmem:s0+$0x4140] =	vst v5;
	v3 =	vadd.f32 v62, v3  }
0x13b: {  	[tilespmem:s0+$0x4150] =	vst v63  }
0x13c: {  	[tilespmem:s0+$0x4160] =	vst v3  }
0x13d: {  	s0 =	rddreg [dreg:$0x8]  }
0x13e: {  	[hbm4b:s0+s2] =	stream.linear.scatter [tilespmem:s18], [sflag:$0x3], $0x8000, $0x38;
	[tilespmem:$0x14100] =	vst v63  }
0x13f: {  	_ =	swait.ge [sflag:s14], $0x8000  }
0x140: {  	s30 =	sadd.s32 $0x1, s30;
	s31 =	rddreg [dreg:$0x9]  }
0x141: {  	p0 =	sne.s32 s30, s31  }
.Ltmp2:
0x142: {  	_ = 	snop;
	(pc) =	sbr.rel @p0 .LBB2_1-.Ltmp2, $3  }
0x143: {  	_ =	sdelay $0x1  }
0x144: {  	[sflag:s14] =	ssyncset.done $0x0  }
0x145: {  	[sflag:s14] =	ssyncadd.s32 $0xFFFF8000  }
0x146: {  	_ =	sfence.sel $0x180000  }
0x147: {  	[bflag:$0x0] =	sbarrier.arrive $0xFFFF  }
0x148: {  	_ =	strace $0x9000004A  }
0x149: {  	s0 =	stileid.u32;
	[bflag:$0x2] =	sbarrier.arrive $0xFFFF  }
0x14a: {  	p0 =	sne.s32 s0, $0x0;
	s0 =	rddreg [dreg:$0x2]  }
0x14b: {  	s0 =	sadd.s32 @!p0 $0x100000, s0  }
0x14c: {  	[sflag:s0] =	ssyncadd.tile.s32 @!p0 $0x1;
	_ =	shalt  }
.Lfunc_end2:
_tile_overlayer_lowered:
.L_overlay_start_2:
0x14d: {  	(tag) =	ssettag $0x2  }
0x14e: {  	s0 =	rddreg [dreg:$0x0];
	s2 =	stileid.u32  }
0x14f: {  	s1 =	rddreg [dreg:$0x1];
	p0 =	sne.s32 s2, $0x0  }
0x150: {  	s3 =	rddreg [dreg:$0x2];
	[bflag:$0x3] =	sbarrier.arrive $0xFFFF;
	s2 =	simm.s32 @!p0 $0x1C03  }
0x151: {  	[timem:s3], [sflag:s2] =	dma.local @!p0 [hbm:s0], s1  }
0x152: {  	s0 =	simm.s32 @!p0 $0x3  }
0x153: {  	_ =	swait.ge @!p0 [sflag:s0], s1  }
0x154: {  	s1 =	ssub.s32 @!p0 $0x0, s1;
	[sflag:s0] =	ssyncset.done @!p0 $0x0  }
0x155: {  	[sflag:s0] =	ssyncadd.s32 @!p0 s1  }
0x156: {  	[bflag:$0x3] =	sbarrier.arrive $0xFFFF  }
0x157: {  	_ =	shalt  }

</sc_bundles>
